<compile_context>
chip_gen: v7x
topology: tpu7x:2x2x1
jax: 0.10.2.dev20260603
libtpu: 0.0.44.dev20260713+nightly
codegen_flags: <defaults>
</compile_context>

<pallas_src>
import functools

import jax
import jax.numpy as jnp
import numpy as np
from jax import lax
from jax.experimental import pallas as pl
from jax.experimental.pallas import tpu as pltpu
from jax.experimental.pallas import tpu_sc as plsc

NC = 2
NS = 16
NW = NC * NS
CHUNK = 40


def _col_perm(d):
    g = np.empty(d, np.int64)
    for s in range(d // 32):
        for t in range(16):
            g[32 * s + 2 * t] = 32 * s + t
            g[32 * s + 2 * t + 1] = 32 * s + 16 + t
    return g


def _proj_body(x_ref, w_ref, b_ref, k_ref, qv_ref):
    cat = jnp.dot(x_ref[...], w_ref[...], preferred_element_type=jnp.float32)
    cat = (cat + b_ref[...]).astype(jnp.bfloat16)
    k_ref[...] = cat[:, :128]
    qv_ref[...] = cat[:, 128:]


def _epilogue_body(p_ref, x_ref, w_ref, b_ref, o_ref):
    skip = jnp.dot(x_ref[...], w_ref[...], preferred_element_type=jnp.float32)
    o_ref[...] = p_ref[0] + p_ref[1] + skip + b_ref[...]


def _edge_body(ei_hbm, k_hbm, qv_hbm, out_hbm,
               ei_all, kd0, kd1, qvs0, qvs1, msg0, msg1,
               agg_sh, gsem0, gsem1, qsem0, qsem1, ssem0, ssem1):
    kd = (kd0, kd1)
    qvs = (qvs0, qvs1)
    msg = (msg0, msg1)
    gsem = (gsem0, gsem1)
    qsem = (qsem0, qsem1)
    ssem = (ssem0, ssem1)

    cid = lax.axis_index("c")
    sid = lax.axis_index("s")
    n_nodes = agg_sh.shape[0]
    d = agg_sh.shape[1]
    rows_per_tile = n_nodes // NS
    nc_chunks = ei_hbm.shape[2]
    wid = cid * NS + sid
    nw = d // 32

    zvec = jnp.zeros((16,), jnp.float32)

    @pl.loop(0, CHUNK)
    def _zero_rows(r):
        for s in range(d // 16):
            msg0[r, pl.ds(16 * s, 16)] = zvec

    nfull = rows_per_tile // CHUNK
    rem = rows_per_tile - nfull * CHUNK

    @pl.loop(0, nfull)
    def _zero_agg(i):
        pltpu.sync_copy(msg0, agg_sh.at[pl.ds(sid * rows_per_tile + i * CHUNK, CHUNK)])

    if rem:
        pltpu.sync_copy(msg0.at[pl.ds(0, rem)],
                        agg_sh.at[pl.ds(sid * rows_per_tile + nfull * CHUNK, rem)])

    plsc.subcore_barrier()

    pltpu.sync_copy(ei_hbm.at[:, wid], ei_all)

    def issue_gather(j, b):
        pltpu.async_copy(k_hbm.at[ei_all.at[1, j]], kd[b], gsem[b])
        pltpu.async_copy(qv_hbm.at[ei_all.at[0, j]], qvs[b], qsem[b])

    shift16 = jnp.full((16,), 16, jnp.int32)
    mask_hi = jnp.full((16,), -65536, jnp.int32)

    def unpack_lo(w):
        return plsc.bitcast(jnp.left_shift(w, shift16), jnp.float32)

    def unpack_hi(w):
        return plsc.bitcast(jnp.bitwise_and(w, mask_hi), jnp.float32)

    def chunk_iter(j, b, issue_next, wait_sc):
        nb = 1 - b
        if issue_next:
            issue_gather(j + 1, nb)
        pltpu.make_async_copy(k_hbm.at[ei_all.at[1, j]], kd[b], gsem[b]).wait()
        pltpu.make_async_copy(qv_hbm.at[ei_all.at[0, j]], qvs[b], qsem[b]).wait()
        if wait_sc:
            pltpu.make_async_copy(msg[b], agg_sh.at[ei_all.at[1, j]], ssem[b]).wait()

        @pl.loop(0, CHUNK)
        def _row(r):
            kk = [kd[b][r, pl.ds(32 * s, 32)] for s in range(nw)]
            qq = [qvs[b][r, pl.ds(32 * s, 32)] for s in range(nw)]
            ee = [jnp.exp(kk[s] + qq[s]) for s in range(nw)]
            rr = [1.0 / (1.0 + ee[s]) for s in range(nw)]
            vv = [qvs[b][r, pl.ds(d + 32 * s, 32)] for s in range(nw)]
            mm = [rr[s] * vv[s] for s in range(nw)]
            for s in range(nw):
                w = plsc.bitcast(mm[s], jnp.int32)
                msg[b][r, pl.ds(32 * s, 16)] = unpack_lo(w)
                msg[b][r, pl.ds(32 * s + 16, 16)] = unpack_hi(w)

        pltpu.async_copy(msg[b], agg_sh.at[ei_all.at[1, j]], ssem[b], add=True)

    issue_gather(0, 0)
    chunk_iter(0, 0, issue_next=True, wait_sc=False)
    chunk_iter(1, 1, issue_next=True, wait_sc=False)

    @pl.loop(1, nc_chunks // 2 - 1)
    def _main(jj):
        for h in range(2):
            chunk_iter(2 * jj + h, h, issue_next=True, wait_sc=True)

    chunk_iter(nc_chunks - 2, 0, issue_next=True, wait_sc=True)
    chunk_iter(nc_chunks - 1, 1, issue_next=False, wait_sc=True)

    pltpu.make_async_copy(msg[0], agg_sh.at[ei_all.at[1, 0]], ssem[0]).wait()
    pltpu.make_async_copy(msg[1], agg_sh.at[ei_all.at[1, 0]], ssem[1]).wait()

    plsc.subcore_barrier()

    pltpu.sync_copy(agg_sh.at[pl.ds(sid * rows_per_tile, rows_per_tile)],
                    out_hbm.at[cid, pl.ds(sid * rows_per_tile, rows_per_tile)])


def kernel(x, edge_index, Wk, bk, Wq, bq, Wv, bv, Ws, bias):
    n, d = x.shape
    e = edge_index.shape[1]
    nc_chunks = e // (NW * CHUNK)

    ei_r = edge_index.reshape(2, NW, nc_chunks, CHUNK)

    g = _col_perm(d)
    wcat = jnp.concatenate(
        [-Wk.T[:, g], -Wq.T[:, g], Wv.T[:, g]], axis=1)
    bcat = jnp.concatenate([-bk[g], -bq[g], bv[g]])[None, :]
    blk = 2000
    grid = n // blk
    k_bf, qv_bf = pl.pallas_call(
        _proj_body,
        grid=(grid,),
        in_specs=[
            pl.BlockSpec((blk, d), lambda i: (i, 0)),
            pl.BlockSpec((d, 3 * d), lambda i: (0, 0)),
            pl.BlockSpec((1, 3 * d), lambda i: (0, 0)),
        ],
        out_specs=[
            pl.BlockSpec((blk, d), lambda i: (i, 0)),
            pl.BlockSpec((blk, 2 * d), lambda i: (i, 0)),
        ],
        out_shape=[
            jax.ShapeDtypeStruct((n, d), jnp.bfloat16),
            jax.ShapeDtypeStruct((n, 2 * d), jnp.bfloat16),
        ],
    )(x, wcat, bcat)

    mesh = plsc.VectorSubcoreMesh(core_axis_name="c", subcore_axis_name="s")
    partials = pl.kernel(
        _edge_body,
        out_type=jax.ShapeDtypeStruct((NC, n, d), jnp.float32),
        mesh=mesh,
        compiler_params=pltpu.CompilerParams(use_tc_tiling_on_sc=False,
                                             needs_layout_passes=False),
        scratch_types=[
            pltpu.VMEM((2, nc_chunks, CHUNK), jnp.int32),
            pltpu.VMEM((CHUNK, d), jnp.bfloat16),
            pltpu.VMEM((CHUNK, d), jnp.bfloat16),
            pltpu.VMEM((CHUNK, 2 * d), jnp.bfloat16),
            pltpu.VMEM((CHUNK, 2 * d), jnp.bfloat16),
            pltpu.VMEM((CHUNK, d), jnp.float32),
            pltpu.VMEM((CHUNK, d), jnp.float32),
            pltpu.VMEM_SHARED((n, d), jnp.float32),
            pltpu.SemaphoreType.DMA,
            pltpu.SemaphoreType.DMA,
            pltpu.SemaphoreType.DMA,
            pltpu.SemaphoreType.DMA,
            pltpu.SemaphoreType.DMA,
            pltpu.SemaphoreType.DMA,
        ],
    )(ei_r, k_bf, qv_bf)

    out = pl.pallas_call(
        _epilogue_body,
        grid=(grid,),
        in_specs=[
            pl.BlockSpec((NC, blk, d), lambda i: (0, i, 0)),
            pl.BlockSpec((blk, d), lambda i: (i, 0)),
            pl.BlockSpec((d, d), lambda i: (0, 0)),
            pl.BlockSpec((1, d), lambda i: (0, 0)),
        ],
        out_specs=pl.BlockSpec((blk, d), lambda i: (i, 0)),
        out_shape=jax.ShapeDtypeStruct((n, d), jnp.float32),
    )(partials, x, Ws.T, bias[None, :])
    return out

# --- scband reference (transcript-rebuilt; emitter-appended) ---
"""Pipeline reference for scband-gated-gcn-38457137168572 (READ-ONLY COPY).

The authoritative reference and input builder live on the scoring server;
editing this copy changes nothing except your own understanding.
"""

import jax, jax.numpy as jnp
import numpy as np

N = 10000
E = 320000
D = 128


def setup_inputs(seed: int = 0) -> dict:
    key = jax.random.key(seed)
    ks = jax.random.split(key, 12)
    x = jax.random.normal(ks[0], (N, D), dtype=jnp.float32)
    edge_index = jax.random.randint(ks[1], (2, E), 0, N, dtype=jnp.int32)
    s = 1.0 / np.sqrt(D)
    Wk = jax.random.normal(ks[2], (D, D), dtype=jnp.float32) * s
    bk = jax.random.normal(ks[3], (D,), dtype=jnp.float32) * s
    Wq = jax.random.normal(ks[4], (D, D), dtype=jnp.float32) * s
    bq = jax.random.normal(ks[5], (D,), dtype=jnp.float32) * s
    Wv = jax.random.normal(ks[6], (D, D), dtype=jnp.float32) * s
    bv = jax.random.normal(ks[7], (D,), dtype=jnp.float32) * s
    Ws = jax.random.normal(ks[8], (D, D), dtype=jnp.float32) * s  # lin_skip (no bias in PyG)
    bias = jax.random.normal(ks[9], (D,), dtype=jnp.float32) * s  # final additive bias
    return {"x": x, "edge_index": edge_index, "Wk": Wk, "bk": bk, "Wq": Wq, "bq": bq,
            "Wv": Wv, "bv": bv, "Ws": Ws, "bias": bias}


def reference(x, edge_index, Wk, bk, Wq, bq, Wv, bv, Ws, bias):
    # ResGatedGraphConv (Bresson & Laurent): 
    # out_i = lin_skip(x_i) + sum_{j->i} sigmoid(lin_key(x_i) + lin_query(x_j)) * lin_value(x_j) + bias
    src = edge_index[0]  # source nodes j
    dst = edge_index[1]  # target nodes i
    k = x @ Wk.T + bk    # lin_key applied to target features x_i
    q = x @ Wq.T + bq    # lin_query applied to source features x_j
    v = x @ Wv.T + bv    # lin_value applied to source features x_j
    # per-edge gated message (gather)
    gate = jax.nn.sigmoid(jnp.take(k, dst, axis=0) + jnp.take(q, src, axis=0))
    msg = gate * jnp.take(v, src, axis=0)
    # scatter-add aggregation at target nodes
    agg = jax.ops.segment_sum(msg, dst, num_segments=x.shape[0])
    out = agg + x @ Ws.T + bias
    return out

if __name__ == "__main__":
    import jax
    _d = setup_inputs()
    print(jax.jit(kernel)(*tuple(_d.values())))

</pallas_src>

<mosaic_0001>
#map = affine_map<(d0, d1) -> (0, 0, 0, 0)>
#map1 = affine_map<(d0, d1) -> (0, 0)>
#map2 = affine_map<(d0, d1) -> (0, 0, 0)>
module attributes {stable_mosaic.version = 14 : i64} {
  func.func @_edge_body(%arg0: i32, %arg1: i32, %arg2: memref<2x32x250x40xi32, #tpu.memory_space<hbm>>, %arg3: memref<10000x128xbf16, #tpu.memory_space<hbm>>, %arg4: memref<10000x256xbf16, #tpu.memory_space<hbm>>, %arg5: memref<2x10000x128xf32, #tpu.memory_space<hbm>>, %arg6: memref<2x250x40xi32, #tpu.memory_space<vmem>>, %arg7: memref<40x128xbf16, #tpu.memory_space<vmem>>, %arg8: memref<40x128xbf16, #tpu.memory_space<vmem>>, %arg9: memref<40x256xbf16, #tpu.memory_space<vmem>>, %arg10: memref<40x256xbf16, #tpu.memory_space<vmem>>, %arg11: memref<40x128xf32, #tpu.memory_space<vmem>>, %arg12: memref<40x128xf32, #tpu.memory_space<vmem>>, %arg13: memref<10000x128xf32, #tpu.memory_space<vmem_shared>>, %arg14: memref<!tpu.dma_semaphore, #tpu.memory_space<semaphore_mem>>, %arg15: memref<!tpu.dma_semaphore, #tpu.memory_space<semaphore_mem>>, %arg16: memref<!tpu.dma_semaphore, #tpu.memory_space<semaphore_mem>>, %arg17: memref<!tpu.dma_semaphore, #tpu.memory_space<semaphore_mem>>, %arg18: memref<!tpu.dma_semaphore, #tpu.memory_space<semaphore_mem>>, %arg19: memref<!tpu.dma_semaphore, #tpu.memory_space<semaphore_mem>>) attributes {dimension_semantics = [#tpu.dimension_semantics<core_parallel>, #tpu.dimension_semantics<subcore_parallel>], iteration_bounds = array<i64: 2, 16>, scalar_prefetch = 0 : i64, scratch_operands = 14 : i64, tpu.core_type = #tpu.core_type<sc_vector_subcore>, window_params = [{transform_indices = #map}, {transform_indices = #map1}, {transform_indices = #map1}, {transform_indices = #map2}]} {
    %mul3A = arith.constant 16 : i32
    %mul3A_0 = arith.muli %arg0, %mul3A : i32
    %add3A = arith.addi %mul3A_0, %arg1 : i32
    %broadcast_in_dim3A = arith.constant 0.000000e+00 : f32
    %broadcast_in_dim3A_1 = vector.broadcast %broadcast_in_dim3A : f32 to vector<16xf32>
    %scan3A = arith.constant 0 : i32
    %scan3A_2 = arith.constant 40 : i32
    %scan3A_3 = arith.addi %scan3A, %scan3A_2 : i32
    %scan3A_4 = arith.constant 1 : i32
    scf.for %scan3A_239 = %scan3A to %scan3A_3 step %scan3A_4  : i32 {
      %mul3A_240 = arith.constant 1 : i32
      %mul3A_241 = arith.muli %scan3A_239, %mul3A_240 : i32
      %add3A_242 = arith.constant 0 : i32
      %add3A_243 = arith.addi %add3A_242, %mul3A_241 : i32
      %swap3A = arith.index_cast %add3A_243 : i32 to index
      %swap3A_244 = arith.constant 0 : index
      %swap3A_245 = tpu.vector_load %arg11[%swap3A, %swap3A_244] {strides = array<i32>} : memref<40x128xf32, #tpu.memory_space<vmem>>, vector<16xf32>,
      tpu.vector_store %arg11[%swap3A, %swap3A_244], %broadcast_in_dim3A_1 {strides = array<i32>} : memref<40x128xf32, #tpu.memory_space<vmem>>, vector<16xf32>,
      %swap3A_246 = arith.index_cast %add3A_243 : i32 to index
      %swap3A_247 = arith.constant 16 : index
      %swap3A_248 = tpu.vector_load %arg11[%swap3A_246, %swap3A_247] {strides = array<i32>} : memref<40x128xf32, #tpu.memory_space<vmem>>, vector<16xf32>,
      tpu.vector_store %arg11[%swap3A_246, %swap3A_247], %broadcast_in_dim3A_1 {strides = array<i32>} : memref<40x128xf32, #tpu.memory_space<vmem>>, vector<16xf32>,
      %swap3A_249 = arith.index_cast %add3A_243 : i32 to index
      %swap3A_250 = arith.constant 32 : index
      %swap3A_251 = tpu.vector_load %arg11[%swap3A_249, %swap3A_250] {strides = array<i32>} : memref<40x128xf32, #tpu.memory_space<vmem>>, vector<16xf32>,
      tpu.vector_store %arg11[%swap3A_249, %swap3A_250], %broadcast_in_dim3A_1 {strides = array<i32>} : memref<40x128xf32, #tpu.memory_space<vmem>>, vector<16xf32>,
      %swap3A_252 = arith.index_cast %add3A_243 : i32 to index
      %swap3A_253 = arith.constant 48 : index
      %swap3A_254 = tpu.vector_load %arg11[%swap3A_252, %swap3A_253] {strides = array<i32>} : memref<40x128xf32, #tpu.memory_space<vmem>>, vector<16xf32>,
      tpu.vector_store %arg11[%swap3A_252, %swap3A_253], %broadcast_in_dim3A_1 {strides = array<i32>} : memref<40x128xf32, #tpu.memory_space<vmem>>, vector<16xf32>,
      %swap3A_255 = arith.index_cast %add3A_243 : i32 to index
      %swap3A_256 = arith.constant 64 : index
      %swap3A_257 = tpu.vector_load %arg11[%swap3A_255, %swap3A_256] {strides = array<i32>} : memref<40x128xf32, #tpu.memory_space<vmem>>, vector<16xf32>,
      tpu.vector_store %arg11[%swap3A_255, %swap3A_256], %broadcast_in_dim3A_1 {strides = array<i32>} : memref<40x128xf32, #tpu.memory_space<vmem>>, vector<16xf32>,
      %swap3A_258 = arith.index_cast %add3A_243 : i32 to index
      %swap3A_259 = arith.constant 80 : index
      %swap3A_260 = tpu.vector_load %arg11[%swap3A_258, %swap3A_259] {strides = array<i32>} : memref<40x128xf32, #tpu.memory_space<vmem>>, vector<16xf32>,
      tpu.vector_store %arg11[%swap3A_258, %swap3A_259], %broadcast_in_dim3A_1 {strides = array<i32>} : memref<40x128xf32, #tpu.memory_space<vmem>>, vector<16xf32>,
      %swap3A_261 = arith.index_cast %add3A_243 : i32 to index
      %swap3A_262 = arith.constant 96 : index
      %swap3A_263 = tpu.vector_load %arg11[%swap3A_261, %swap3A_262] {strides = array<i32>} : memref<40x128xf32, #tpu.memory_space<vmem>>, vector<16xf32>,
      tpu.vector_store %arg11[%swap3A_261, %swap3A_262], %broadcast_in_dim3A_1 {strides = array<i32>} : memref<40x128xf32, #tpu.memory_space<vmem>>, vector<16xf32>,
      %swap3A_264 = arith.index_cast %add3A_243 : i32 to index
      %swap3A_265 = arith.constant 112 : index
      %swap3A_266 = tpu.vector_load %arg11[%swap3A_264, %swap3A_265] {strides = array<i32>} : memref<40x128xf32, #tpu.memory_space<vmem>>, vector<16xf32>,
      tpu.vector_store %arg11[%swap3A_264, %swap3A_265], %broadcast_in_dim3A_1 {strides = array<i32>} : memref<40x128xf32, #tpu.memory_space<vmem>>, vector<16xf32>,
    }
    %scan3A_5 = arith.constant 40 : i32
    %scan3A_6 = arith.constant 0 : i32
    %scan3A_7 = arith.constant 15 : i32
    %scan3A_8 = arith.addi %scan3A_6, %scan3A_7 : i32
    %scan3A_9 = arith.constant 1 : i32
    scf.for %scan3A_239 = %scan3A_6 to %scan3A_8 step %scan3A_9  : i32 {
      %mul3A_240 = arith.constant 1 : i32
      %mul3A_241 = arith.muli %scan3A_239, %mul3A_240 : i32
      %add3A_242 = arith.constant 0 : i32
      %add3A_243 = arith.addi %add3A_242, %mul3A_241 : i32
      %mul3A_244 = arith.constant 625 : i32
      %mul3A_245 = arith.muli %arg1, %mul3A_244 : i32
      %mul3A_246 = arith.constant 40 : i32
      %mul3A_247 = arith.muli %add3A_243, %mul3A_246 : i32
      %add3A_248 = arith.addi %mul3A_245, %mul3A_247 : i32
      "tpu.region"() ({
        %run_scoped3A = tpu.sem_alloc : memref<!tpu.dma_semaphore, #tpu.memory_space<semaphore_mem>>
        %dma_start3A_249 = arith.constant 0 : i32
        %dma_start3A_250 = tpu.memref_slice %arg13[%add3A_248, %dma_start3A_249] : memref<10000x128xf32, #tpu.memory_space<vmem_shared>> -> memref<40x128xf32, #tpu.memory_space<vmem_shared>>
        %dma_start3A_251 = arith.constant 0 : i32
        %dma_start3A_252 = tpu.memref_slice %arg13[%add3A_248, %dma_start3A_251] : memref<10000x128xf32, #tpu.memory_space<vmem_shared>> -> memref<40x128xf32, #tpu.memory_space<vmem_shared>>
        tpu.enqueue_dma source(%arg11 : memref<40x128xf32, #tpu.memory_space<vmem>>) target(%dma_start3A_252 : memref<40x128xf32, #tpu.memory_space<vmem_shared>>) target_semaphore(%run_scoped3A : memref<!tpu.dma_semaphore, #tpu.memory_space<semaphore_mem>>)
        %dma_wait3A_253 = arith.constant 0 : i32
        %dma_wait3A_254 = tpu.memref_slice %arg13[%add3A_248, %dma_wait3A_253] : memref<10000x128xf32, #tpu.memory_space<vmem_shared>> -> memref<40x128xf32, #tpu.memory_space<vmem_shared>>
        %dma_wait3A_255 = arith.constant 0 : i32
        %dma_wait3A_256 = tpu.memref_slice %arg13[%add3A_248, %dma_wait3A_255] : memref<10000x128xf32, #tpu.memory_space<vmem_shared>> -> memref<40x128xf32, #tpu.memory_space<vmem_shared>>
        tpu.wait_dma2 semaphore(%run_scoped3A : memref<!tpu.dma_semaphore, #tpu.memory_space<semaphore_mem>>) src(%arg11 : memref<40x128xf32, #tpu.memory_space<vmem>>) dst(%dma_wait3A_256 : memref<40x128xf32, #tpu.memory_space<vmem_shared>>)
        tpu.yield
      }) : () -> ()
    }
    %scan3A_10 = arith.constant 15 : i32
    %mul3A_11 = arith.constant 625 : i32
    %mul3A_12 = arith.muli %arg1, %mul3A_11 : i32
    %add3A_13 = arith.constant 600 : i32
    %add3A_14 = arith.addi %mul3A_12, %add3A_13 : i32
    "tpu.region"() ({
      %run_scoped3A = tpu.sem_alloc : memref<!tpu.dma_semaphore, #tpu.memory_space<semaphore_mem>>
      %dma_start3A_239 = arith.constant 0 : i32
      %dma_start3A_240 = arith.constant 0 : i32
      %dma_start3A_241 = tpu.memref_slice %arg11[%dma_start3A_239, %dma_start3A_240] : memref<40x128xf32, #tpu.memory_space<vmem>> -> memref<25x128xf32, #tpu.memory_space<vmem>>
      %dma_start3A_242 = arith.constant 0 : i32
      %dma_start3A_243 = tpu.memref_slice %arg13[%add3A_14, %dma_start3A_242] : memref<10000x128xf32, #tpu.memory_space<vmem_shared>> -> memref<25x128xf32, #tpu.memory_space<vmem_shared>>
      %dma_start3A_244 = arith.constant 0 : i32
      %dma_start3A_245 = tpu.memref_slice %arg13[%add3A_14, %dma_start3A_244] : memref<10000x128xf32, #tpu.memory_space<vmem_shared>> -> memref<25x128xf32, #tpu.memory_space<vmem_shared>>
      %dma_start3A_246 = arith.constant 0 : i32
      %dma_start3A_247 = arith.constant 0 : i32
      %dma_start3A_248 = tpu.memref_slice %arg11[%dma_start3A_246, %dma_start3A_247] : memref<40x128xf32, #tpu.memory_space<vmem>> -> memref<25x128xf32, #tpu.memory_space<vmem>>
      tpu.enqueue_dma source(%dma_start3A_248 : memref<25x128xf32, #tpu.memory_space<vmem>>) target(%dma_start3A_245 : memref<25x128xf32, #tpu.memory_space<vmem_shared>>) target_semaphore(%run_scoped3A : memref<!tpu.dma_semaphore, #tpu.memory_space<semaphore_mem>>)
      %dma_wait3A_249 = arith.constant 0 : i32
      %dma_wait3A_250 = arith.constant 0 : i32
      %dma_wait3A_251 = tpu.memref_slice %arg11[%dma_wait3A_249, %dma_wait3A_250] : memref<40x128xf32, #tpu.memory_space<vmem>> -> memref<25x128xf32, #tpu.memory_space<vmem>>
      %dma_wait3A_252 = arith.constant 0 : i32
      %dma_wait3A_253 = tpu.memref_slice %arg13[%add3A_14, %dma_wait3A_252] : memref<10000x128xf32, #tpu.memory_space<vmem_shared>> -> memref<25x128xf32, #tpu.memory_space<vmem_shared>>
      %dma_wait3A_254 = arith.constant 0 : i32
      %dma_wait3A_255 = tpu.memref_slice %arg13[%add3A_14, %dma_wait3A_254] : memref<10000x128xf32, #tpu.memory_space<vmem_shared>> -> memref<25x128xf32, #tpu.memory_space<vmem_shared>>
      %dma_wait3A_256 = arith.constant 0 : i32
      %dma_wait3A_257 = arith.constant 0 : i32
      %dma_wait3A_258 = tpu.memref_slice %arg11[%dma_wait3A_256, %dma_wait3A_257] : memref<40x128xf32, #tpu.memory_space<vmem>> -> memref<25x128xf32, #tpu.memory_space<vmem>>
      tpu.wait_dma2 semaphore(%run_scoped3A : memref<!tpu.dma_semaphore, #tpu.memory_space<semaphore_mem>>) src(%dma_wait3A_258 : memref<25x128xf32, #tpu.memory_space<vmem>>) dst(%dma_wait3A_255 : memref<25x128xf32, #tpu.memory_space<vmem_shared>>)
      tpu.yield
    }) : () -> ()
    %barrier3A = arith.constant 0 : index
    tpu.barrier barrier_id(%barrier3A)
    "tpu.region"() ({
      %run_scoped3A = tpu.sem_alloc : memref<!tpu.dma_semaphore, #tpu.memory_space<semaphore_mem>>
      %dma_start3A_239 = arith.constant 0 : i32
      %dma_start3A_240 = arith.constant 0 : i32
      %dma_start3A_241 = arith.constant 0 : i32
      %dma_start3A_242 = tpu.memref_slice %arg2[%dma_start3A_239, %add3A, %dma_start3A_240, %dma_start3A_241] : memref<2x32x250x40xi32, #tpu.memory_space<hbm>> -> memref<2x1x250x40xi32, #tpu.memory_space<hbm>>
      %dma_start3A_243 = tpu.memref_squeeze %dma_start3A_242 : memref<2x1x250x40xi32, #tpu.memory_space<hbm>> -> memref<2x250x40xi32, #tpu.memory_space<hbm>>
      %dma_start3A_244 = arith.constant 0 : i32
      %dma_start3A_245 = arith.constant 0 : i32
      %dma_start3A_246 = arith.constant 0 : i32
      %dma_start3A_247 = tpu.memref_slice %arg2[%dma_start3A_244, %add3A, %dma_start3A_245, %dma_start3A_246] : memref<2x32x250x40xi32, #tpu.memory_space<hbm>> -> memref<2x1x250x40xi32, #tpu.memory_space<hbm>>
      %dma_start3A_248 = tpu.memref_squeeze %dma_start3A_247 : memref<2x1x250x40xi32, #tpu.memory_space<hbm>> -> memref<2x250x40xi32, #tpu.memory_space<hbm>>
      tpu.enqueue_dma source(%dma_start3A_248 : memref<2x250x40xi32, #tpu.memory_space<hbm>>) target(%arg6 : memref<2x250x40xi32, #tpu.memory_space<vmem>>) target_semaphore(%run_scoped3A : memref<!tpu.dma_semaphore, #tpu.memory_space<semaphore_mem>>)
      %dma_wait3A_249 = arith.constant 0 : i32
      %dma_wait3A_250 = arith.constant 0 : i32
      %dma_wait3A_251 = arith.constant 0 : i32
      %dma_wait3A_252 = tpu.memref_slice %arg2[%dma_wait3A_249, %add3A, %dma_wait3A_250, %dma_wait3A_251] : memref<2x32x250x40xi32, #tpu.memory_space<hbm>> -> memref<2x1x250x40xi32, #tpu.memory_space<hbm>>
      %dma_wait3A_253 = tpu.memref_squeeze %dma_wait3A_252 : memref<2x1x250x40xi32, #tpu.memory_space<hbm>> -> memref<2x250x40xi32, #tpu.memory_space<hbm>>
      %dma_wait3A_254 = arith.constant 0 : i32
      %dma_wait3A_255 = arith.constant 0 : i32
      %dma_wait3A_256 = arith.constant 0 : i32
      %dma_wait3A_257 = tpu.memref_slice %arg2[%dma_wait3A_254, %add3A, %dma_wait3A_255, %dma_wait3A_256] : memref<2x32x250x40xi32, #tpu.memory_space<hbm>> -> memref<2x1x250x40xi32, #tpu.memory_space<hbm>>
      %dma_wait3A_258 = tpu.memref_squeeze %dma_wait3A_257 : memref<2x1x250x40xi32, #tpu.memory_space<hbm>> -> memref<2x250x40xi32, #tpu.memory_space<hbm>>
      tpu.wait_dma2 semaphore(%run_scoped3A : memref<!tpu.dma_semaphore, #tpu.memory_space<semaphore_mem>>) src(%dma_wait3A_258 : memref<2x250x40xi32, #tpu.memory_space<hbm>>) dst(%arg6 : memref<2x250x40xi32, #tpu.memory_space<vmem>>)
      tpu.yield
    }) : () -> ()
    %broadcast_in_dim3A_15 = arith.constant 16 : i32
    %broadcast_in_dim3A_16 = vector.broadcast %broadcast_in_dim3A_15 : i32 to vector<16xi32>
    %broadcast_in_dim3A_17 = arith.constant -65536 : i32
    %broadcast_in_dim3A_18 = vector.broadcast %broadcast_in_dim3A_17 : i32 to vector<16xi32>
    %dma_start3A = arith.constant 1 : i32
    %dma_start3A_19 = arith.constant 0 : i32
    %dma_start3A_20 = arith.constant 0 : i32
    %dma_start3A_21 = tpu.memref_slice %arg6[%dma_start3A, %dma_start3A_19, %dma_start3A_20] : memref<2x250x40xi32, #tpu.memory_space<vmem>> -> memref<1x1x40xi32, #tpu.memory_space<vmem>>
    %dma_start3A_22 = tpu.memref_squeeze %dma_start3A_21 : memref<1x1x40xi32, #tpu.memory_space<vmem>> -> memref<40xi32, #tpu.memory_space<vmem>>
    %dma_start3A_23 = arith.constant 0 : i32
    %dma_start3A_24 = arith.constant 0 : i32
    %dma_start3A_25 = tpu.memref_slice %arg3[%dma_start3A_23, %dma_start3A_24] : memref<10000x128xbf16, #tpu.memory_space<hbm>> -> memref<10000x128xbf16, #tpu.memory_space<hbm>>
    tpu.enqueue_indirect_dma source(%dma_start3A_25 : memref<10000x128xbf16, #tpu.memory_space<hbm>>) target(%arg7 : memref<40x128xbf16, #tpu.memory_space<vmem>>) offsets(%dma_start3A_22 : memref<40xi32, #tpu.memory_space<vmem>>) semaphore(%arg14 : memref<!tpu.dma_semaphore, #tpu.memory_space<semaphore_mem>>)
    %dma_start3A_26 = arith.constant 0 : i32
    %dma_start3A_27 = arith.constant 0 : i32
    %dma_start3A_28 = arith.constant 0 : i32
    %dma_start3A_29 = tpu.memref_slice %arg6[%dma_start3A_26, %dma_start3A_27, %dma_start3A_28] : memref<2x250x40xi32, #tpu.memory_space<vmem>> -> memref<1x1x40xi32, #tpu.memory_space<vmem>>
    %dma_start3A_30 = tpu.memref_squeeze %dma_start3A_29 : memref<1x1x40xi32, #tpu.memory_space<vmem>> -> memref<40xi32, #tpu.memory_space<vmem>>
    %dma_start3A_31 = arith.constant 0 : i32
    %dma_start3A_32 = arith.constant 0 : i32
    %dma_start3A_33 = tpu.memref_slice %arg4[%dma_start3A_31, %dma_start3A_32] : memref<10000x256xbf16, #tpu.memory_space<hbm>> -> memref<10000x256xbf16, #tpu.memory_space<hbm>>
    tpu.enqueue_indirect_dma source(%dma_start3A_33 : memref<10000x256xbf16, #tpu.memory_space<hbm>>) target(%arg9 : memref<40x256xbf16, #tpu.memory_space<vmem>>) offsets(%dma_start3A_30 : memref<40xi32, #tpu.memory_space<vmem>>) semaphore(%arg16 : memref<!tpu.dma_semaphore, #tpu.memory_space<semaphore_mem>>)
    %dma_start3A_34 = arith.constant 1 : i32
    %dma_start3A_35 = arith.constant 1 : i32
    %dma_start3A_36 = arith.constant 0 : i32
    %dma_start3A_37 = tpu.memref_slice %arg6[%dma_start3A_34, %dma_start3A_35, %dma_start3A_36] : memref<2x250x40xi32, #tpu.memory_space<vmem>> -> memref<1x1x40xi32, #tpu.memory_space<vmem>>
    %dma_start3A_38 = tpu.memref_squeeze %dma_start3A_37 : memref<1x1x40xi32, #tpu.memory_space<vmem>> -> memref<40xi32, #tpu.memory_space<vmem>>
    %dma_start3A_39 = arith.constant 0 : i32
    %dma_start3A_40 = arith.constant 0 : i32
    %dma_start3A_41 = tpu.memref_slice %arg3[%dma_start3A_39, %dma_start3A_40] : memref<10000x128xbf16, #tpu.memory_space<hbm>> -> memref<10000x128xbf16, #tpu.memory_space<hbm>>
    tpu.enqueue_indirect_dma source(%dma_start3A_41 : memref<10000x128xbf16, #tpu.memory_space<hbm>>) target(%arg8 : memref<40x128xbf16, #tpu.memory_space<vmem>>) offsets(%dma_start3A_38 : memref<40xi32, #tpu.memory_space<vmem>>) semaphore(%arg15 : memref<!tpu.dma_semaphore, #tpu.memory_space<semaphore_mem>>)
    %dma_start3A_42 = arith.constant 0 : i32
    %dma_start3A_43 = arith.constant 1 : i32
    %dma_start3A_44 = arith.constant 0 : i32
    %dma_start3A_45 = tpu.memref_slice %arg6[%dma_start3A_42, %dma_start3A_43, %dma_start3A_44] : memref<2x250x40xi32, #tpu.memory_space<vmem>> -> memref<1x1x40xi32, #tpu.memory_space<vmem>>
    %dma_start3A_46 = tpu.memref_squeeze %dma_start3A_45 : memref<1x1x40xi32, #tpu.memory_space<vmem>> -> memref<40xi32, #tpu.memory_space<vmem>>
    %dma_start3A_47 = arith.constant 0 : i32
    %dma_start3A_48 = arith.constant 0 : i32
    %dma_start3A_49 = tpu.memref_slice %arg4[%dma_start3A_47, %dma_start3A_48] : memref<10000x256xbf16, #tpu.memory_space<hbm>> -> memref<10000x256xbf16, #tpu.memory_space<hbm>>
    tpu.enqueue_indirect_dma source(%dma_start3A_49 : memref<10000x256xbf16, #tpu.memory_space<hbm>>) target(%arg10 : memref<40x256xbf16, #tpu.memory_space<vmem>>) offsets(%dma_start3A_46 : memref<40xi32, #tpu.memory_space<vmem>>) semaphore(%arg17 : memref<!tpu.dma_semaphore, #tpu.memory_space<semaphore_mem>>)
    %dma_wait3A = arith.constant 1 : i32
    %dma_wait3A_50 = arith.constant 0 : i32
    %dma_wait3A_51 = arith.constant 0 : i32
    %dma_wait3A_52 = tpu.memref_slice %arg6[%dma_wait3A, %dma_wait3A_50, %dma_wait3A_51] : memref<2x250x40xi32, #tpu.memory_space<vmem>> -> memref<1x1x40xi32, #tpu.memory_space<vmem>>
    %dma_wait3A_53 = tpu.memref_squeeze %dma_wait3A_52 : memref<1x1x40xi32, #tpu.memory_space<vmem>> -> memref<40xi32, #tpu.memory_space<vmem>>
    %dma_wait3A_54 = arith.constant 0 : i32
    %dma_wait3A_55 = arith.constant 0 : i32
    %dma_wait3A_56 = tpu.memref_slice %arg3[%dma_wait3A_54, %dma_wait3A_55] : memref<10000x128xbf16, #tpu.memory_space<hbm>> -> memref<10000x128xbf16, #tpu.memory_space<hbm>>
    tpu.wait_indirect_dma semaphore(%arg14 : memref<!tpu.dma_semaphore, #tpu.memory_space<semaphore_mem>>) src(%dma_wait3A_56 : memref<10000x128xbf16, #tpu.memory_space<hbm>>) dst(%arg7 : memref<40x128xbf16, #tpu.memory_space<vmem>>)
    %dma_wait3A_57 = arith.constant 0 : i32
    %dma_wait3A_58 = arith.constant 0 : i32
    %dma_wait3A_59 = arith.constant 0 : i32
    %dma_wait3A_60 = tpu.memref_slice %arg6[%dma_wait3A_57, %dma_wait3A_58, %dma_wait3A_59] : memref<2x250x40xi32, #tpu.memory_space<vmem>> -> memref<1x1x40xi32, #tpu.memory_space<vmem>>
    %dma_wait3A_61 = tpu.memref_squeeze %dma_wait3A_60 : memref<1x1x40xi32, #tpu.memory_space<vmem>> -> memref<40xi32, #tpu.memory_space<vmem>>
    %dma_wait3A_62 = arith.constant 0 : i32
    %dma_wait3A_63 = arith.constant 0 : i32
    %dma_wait3A_64 = tpu.memref_slice %arg4[%dma_wait3A_62, %dma_wait3A_63] : memref<10000x256xbf16, #tpu.memory_space<hbm>> -> memref<10000x256xbf16, #tpu.memory_space<hbm>>
    tpu.wait_indirect_dma semaphore(%arg16 : memref<!tpu.dma_semaphore, #tpu.memory_space<semaphore_mem>>) src(%dma_wait3A_64 : memref<10000x256xbf16, #tpu.memory_space<hbm>>) dst(%arg9 : memref<40x256xbf16, #tpu.memory_space<vmem>>)
    %scan3A_65 = arith.constant 0 : i32
    %scan3A_66 = arith.constant 40 : i32
    %scan3A_67 = arith.addi %scan3A_65, %scan3A_66 : i32
    %scan3A_68 = arith.constant 1 : i32
    scf.for %scan3A_239 = %scan3A_65 to %scan3A_67 step %scan3A_68  : i32 {
      %mul3A_240 = arith.constant 1 : i32
      %mul3A_241 = arith.muli %scan3A_239, %mul3A_240 : i32
      %add3A_242 = arith.constant 0 : i32
      %add3A_243 = arith.addi %add3A_242, %mul3A_241 : i32
      %get3A = arith.index_cast %add3A_243 : i32 to index
      %get3A_244 = arith.constant 0 : index
      %get3A_245 = tpu.vector_load %arg7[%get3A, %get3A_244] {strides = array<i32>} : memref<40x128xbf16, #tpu.memory_space<vmem>>, vector<32xbf16>,
      %get3A_246 = arith.index_cast %add3A_243 : i32 to index
      %get3A_247 = arith.constant 32 : index
      %get3A_248 = tpu.vector_load %arg7[%get3A_246, %get3A_247] {strides = array<i32>} : memref<40x128xbf16, #tpu.memory_space<vmem>>, vector<32xbf16>,
      %get3A_249 = arith.index_cast %add3A_243 : i32 to index
      %get3A_250 = arith.constant 64 : index
      %get3A_251 = tpu.vector_load %arg7[%get3A_249, %get3A_250] {strides = array<i32>} : memref<40x128xbf16, #tpu.memory_space<vmem>>, vector<32xbf16>,
      %get3A_252 = arith.index_cast %add3A_243 : i32 to index
      %get3A_253 = arith.constant 96 : index
      %get3A_254 = tpu.vector_load %arg7[%get3A_252, %get3A_253] {strides = array<i32>} : memref<40x128xbf16, #tpu.memory_space<vmem>>, vector<32xbf16>,
      %get3A_255 = arith.index_cast %add3A_243 : i32 to index
      %get3A_256 = arith.constant 0 : index
      %get3A_257 = tpu.vector_load %arg9[%get3A_255, %get3A_256] {strides = array<i32>} : memref<40x256xbf16, #tpu.memory_space<vmem>>, vector<32xbf16>,
      %get3A_258 = arith.index_cast %add3A_243 : i32 to index
      %get3A_259 = arith.constant 32 : index
      %get3A_260 = tpu.vector_load %arg9[%get3A_258, %get3A_259] {strides = array<i32>} : memref<40x256xbf16, #tpu.memory_space<vmem>>, vector<32xbf16>,
      %get3A_261 = arith.index_cast %add3A_243 : i32 to index
      %get3A_262 = arith.constant 64 : index
      %get3A_263 = tpu.vector_load %arg9[%get3A_261, %get3A_262] {strides = array<i32>} : memref<40x256xbf16, #tpu.memory_space<vmem>>, vector<32xbf16>,
      %get3A_264 = arith.index_cast %add3A_243 : i32 to index
      %get3A_265 = arith.constant 96 : index
      %get3A_266 = tpu.vector_load %arg9[%get3A_264, %get3A_265] {strides = array<i32>} : memref<40x256xbf16, #tpu.memory_space<vmem>>, vector<32xbf16>,
      %add3A_267 = arith.addf %get3A_245, %get3A_257 : vector<32xbf16>
      %exp3A = math.exp %add3A_267 : vector<32xbf16>
      %add3A_268 = arith.addf %get3A_248, %get3A_260 : vector<32xbf16>
      %exp3A_269 = math.exp %add3A_268 : vector<32xbf16>
      %add3A_270 = arith.addf %get3A_251, %get3A_263 : vector<32xbf16>
      %exp3A_271 = math.exp %add3A_270 : vector<32xbf16>
      %add3A_272 = arith.addf %get3A_254, %get3A_266 : vector<32xbf16>
      %exp3A_273 = math.exp %add3A_272 : vector<32xbf16>
      %add3A_274 = arith.constant 1.000000e+00 : bf16
      %add3A_275 = vector.broadcast %add3A_274 : bf16 to vector<32xbf16>
      %add3A_276 = arith.addf %add3A_275, %exp3A : vector<32xbf16>
      %div3A = arith.constant 1.000000e+00 : bf16
      %div3A_277 = vector.broadcast %div3A : bf16 to vector<32xbf16>
      %div3A_278 = arith.divf %div3A_277, %add3A_276 : vector<32xbf16>
      %add3A_279 = arith.constant 1.000000e+00 : bf16
      %add3A_280 = vector.broadcast %add3A_279 : bf16 to vector<32xbf16>
      %add3A_281 = arith.addf %add3A_280, %exp3A_269 : vector<32xbf16>
      %div3A_282 = arith.constant 1.000000e+00 : bf16
      %div3A_283 = vector.broadcast %div3A_282 : bf16 to vector<32xbf16>
      %div3A_284 = arith.divf %div3A_283, %add3A_281 : vector<32xbf16>
      %add3A_285 = arith.constant 1.000000e+00 : bf16
      %add3A_286 = vector.broadcast %add3A_285 : bf16 to vector<32xbf16>
      %add3A_287 = arith.addf %add3A_286, %exp3A_271 : vector<32xbf16>
      %div3A_288 = arith.constant 1.000000e+00 : bf16
      %div3A_289 = vector.broadcast %div3A_288 : bf16 to vector<32xbf16>
      %div3A_290 = arith.divf %div3A_289, %add3A_287 : vector<32xbf16>
      %add3A_291 = arith.constant 1.000000e+00 : bf16
      %add3A_292 = vector.broadcast %add3A_291 : bf16 to vector<32xbf16>
      %add3A_293 = arith.addf %add3A_292, %exp3A_273 : vector<32xbf16>
      %div3A_294 = arith.constant 1.000000e+00 : bf16
      %div3A_295 = vector.broadcast %div3A_294 : bf16 to vector<32xbf16>
      %div3A_296 = arith.divf %div3A_295, %add3A_293 : vector<32xbf16>
      %get3A_297 = arith.index_cast %add3A_243 : i32 to index
      %get3A_298 = arith.constant 128 : index
      %get3A_299 = tpu.vector_load %arg9[%get3A_297, %get3A_298] {strides = array<i32>} : memref<40x256xbf16, #tpu.memory_space<vmem>>, vector<32xbf16>,
      %get3A_300 = arith.index_cast %add3A_243 : i32 to index
      %get3A_301 = arith.constant 160 : index
      %get3A_302 = tpu.vector_load %arg9[%get3A_300, %get3A_301] {strides = array<i32>} : memref<40x256xbf16, #tpu.memory_space<vmem>>, vector<32xbf16>,
      %get3A_303 = arith.index_cast %add3A_243 : i32 to index
      %get3A_304 = arith.constant 192 : index
      %get3A_305 = tpu.vector_load %arg9[%get3A_303, %get3A_304] {strides = array<i32>} : memref<40x256xbf16, #tpu.memory_space<vmem>>, vector<32xbf16>,
      %get3A_306 = arith.index_cast %add3A_243 : i32 to index
      %get3A_307 = arith.constant 224 : index
      %get3A_308 = tpu.vector_load %arg9[%get3A_306, %get3A_307] {strides = array<i32>} : memref<40x256xbf16, #tpu.memory_space<vmem>>, vector<32xbf16>,
      %mul3A_309 = arith.mulf %div3A_278, %get3A_299 : vector<32xbf16>
      %mul3A_310 = arith.mulf %div3A_284, %get3A_302 : vector<32xbf16>
      %mul3A_311 = arith.mulf %div3A_290, %get3A_305 : vector<32xbf16>
      %mul3A_312 = arith.mulf %div3A_296, %get3A_308 : vector<32xbf16>
      %bitcast3A = vector.bitcast %mul3A_309 : vector<32xbf16> to vector<16xi32>
      %shift_left3A = arith.shli %bitcast3A, %broadcast_in_dim3A_16 : vector<16xi32>
      %bitcast3A_313 = vector.bitcast %shift_left3A : vector<16xi32> to vector<16xf32>
      %swap3A = arith.index_cast %add3A_243 : i32 to index
      %swap3A_314 = arith.constant 0 : index
      %swap3A_315 = tpu.vector_load %arg11[%swap3A, %swap3A_314] {strides = array<i32>} : memref<40x128xf32, #tpu.memory_space<vmem>>, vector<16xf32>,
      tpu.vector_store %arg11[%swap3A, %swap3A_314], %bitcast3A_313 {strides = array<i32>} : memref<40x128xf32, #tpu.memory_space<vmem>>, vector<16xf32>,
      %and3A = arith.andi %bitcast3A, %broadcast_in_dim3A_18 : vector<16xi32>
      %bitcast3A_316 = vector.bitcast %and3A : vector<16xi32> to vector<16xf32>
      %swap3A_317 = arith.index_cast %add3A_243 : i32 to index
      %swap3A_318 = arith.constant 16 : index
      %swap3A_319 = tpu.vector_load %arg11[%swap3A_317, %swap3A_318] {strides = array<i32>} : memref<40x128xf32, #tpu.memory_space<vmem>>, vector<16xf32>,
      tpu.vector_store %arg11[%swap3A_317, %swap3A_318], %bitcast3A_316 {strides = array<i32>} : memref<40x128xf32, #tpu.memory_space<vmem>>, vector<16xf32>,
      %bitcast3A_320 = vector.bitcast %mul3A_310 : vector<32xbf16> to vector<16xi32>
      %shift_left3A_321 = arith.shli %bitcast3A_320, %broadcast_in_dim3A_16 : vector<16xi32>
      %bitcast3A_322 = vector.bitcast %shift_left3A_321 : vector<16xi32> to vector<16xf32>
      %swap3A_323 = arith.index_cast %add3A_243 : i32 to index
      %swap3A_324 = arith.constant 32 : index
      %swap3A_325 = tpu.vector_load %arg11[%swap3A_323, %swap3A_324] {strides = array<i32>} : memref<40x128xf32, #tpu.memory_space<vmem>>, vector<16xf32>,
      tpu.vector_store %arg11[%swap3A_323, %swap3A_324], %bitcast3A_322 {strides = array<i32>} : memref<40x128xf32, #tpu.memory_space<vmem>>, vector<16xf32>,
      %and3A_326 = arith.andi %bitcast3A_320, %broadcast_in_dim3A_18 : vector<16xi32>
      %bitcast3A_327 = vector.bitcast %and3A_326 : vector<16xi32> to vector<16xf32>
      %swap3A_328 = arith.index_cast %add3A_243 : i32 to index
      %swap3A_329 = arith.constant 48 : index
      %swap3A_330 = tpu.vector_load %arg11[%swap3A_328, %swap3A_329] {strides = array<i32>} : memref<40x128xf32, #tpu.memory_space<vmem>>, vector<16xf32>,
      tpu.vector_store %arg11[%swap3A_328, %swap3A_329], %bitcast3A_327 {strides = array<i32>} : memref<40x128xf32, #tpu.memory_space<vmem>>, vector<16xf32>,
      %bitcast3A_331 = vector.bitcast %mul3A_311 : vector<32xbf16> to vector<16xi32>
      %shift_left3A_332 = arith.shli %bitcast3A_331, %broadcast_in_dim3A_16 : vector<16xi32>
      %bitcast3A_333 = vector.bitcast %shift_left3A_332 : vector<16xi32> to vector<16xf32>
      %swap3A_334 = arith.index_cast %add3A_243 : i32 to index
      %swap3A_335 = arith.constant 64 : index
      %swap3A_336 = tpu.vector_load %arg11[%swap3A_334, %swap3A_335] {strides = array<i32>} : memref<40x128xf32, #tpu.memory_space<vmem>>, vector<16xf32>,
      tpu.vector_store %arg11[%swap3A_334, %swap3A_335], %bitcast3A_333 {strides = array<i32>} : memref<40x128xf32, #tpu.memory_space<vmem>>, vector<16xf32>,
      %and3A_337 = arith.andi %bitcast3A_331, %broadcast_in_dim3A_18 : vector<16xi32>
      %bitcast3A_338 = vector.bitcast %and3A_337 : vector<16xi32> to vector<16xf32>
      %swap3A_339 = arith.index_cast %add3A_243 : i32 to index
      %swap3A_340 = arith.constant 80 : index
      %swap3A_341 = tpu.vector_load %arg11[%swap3A_339, %swap3A_340] {strides = array<i32>} : memref<40x128xf32, #tpu.memory_space<vmem>>, vector<16xf32>,
      tpu.vector_store %arg11[%swap3A_339, %swap3A_340], %bitcast3A_338 {strides = array<i32>} : memref<40x128xf32, #tpu.memory_space<vmem>>, vector<16xf32>,
      %bitcast3A_342 = vector.bitcast %mul3A_312 : vector<32xbf16> to vector<16xi32>
      %shift_left3A_343 = arith.shli %bitcast3A_342, %broadcast_in_dim3A_16 : vector<16xi32>
      %bitcast3A_344 = vector.bitcast %shift_left3A_343 : vector<16xi32> to vector<16xf32>
      %swap3A_345 = arith.index_cast %add3A_243 : i32 to index
      %swap3A_346 = arith.constant 96 : index
      %swap3A_347 = tpu.vector_load %arg11[%swap3A_345, %swap3A_346] {strides = array<i32>} : memref<40x128xf32, #tpu.memory_space<vmem>>, vector<16xf32>,
      tpu.vector_store %arg11[%swap3A_345, %swap3A_346], %bitcast3A_344 {strides = array<i32>} : memref<40x128xf32, #tpu.memory_space<vmem>>, vector<16xf32>,
      %and3A_348 = arith.andi %bitcast3A_342, %broadcast_in_dim3A_18 : vector<16xi32>
      %bitcast3A_349 = vector.bitcast %and3A_348 : vector<16xi32> to vector<16xf32>
      %swap3A_350 = arith.index_cast %add3A_243 : i32 to index
      %swap3A_351 = arith.constant 112 : index
      %swap3A_352 = tpu.vector_load %arg11[%swap3A_350, %swap3A_351] {strides = array<i32>} : memref<40x128xf32, #tpu.memory_space<vmem>>, vector<16xf32>,
      tpu.vector_store %arg11[%swap3A_350, %swap3A_351], %bitcast3A_349 {strides = array<i32>} : memref<40x128xf32, #tpu.memory_space<vmem>>, vector<16xf32>,
    }
    %scan3A_69 = arith.constant 40 : i32
    %dma_start3A_70 = arith.constant 1 : i32
    %dma_start3A_71 = arith.constant 0 : i32
    %dma_start3A_72 = arith.constant 0 : i32
    %dma_start3A_73 = tpu.memref_slice %arg6[%dma_start3A_70, %dma_start3A_71, %dma_start3A_72] : memref<2x250x40xi32, #tpu.memory_space<vmem>> -> memref<1x1x40xi32, #tpu.memory_space<vmem>>
    %dma_start3A_74 = tpu.memref_squeeze %dma_start3A_73 : memref<1x1x40xi32, #tpu.memory_space<vmem>> -> memref<40xi32, #tpu.memory_space<vmem>>
    %dma_start3A_75 = arith.constant 0 : i32
    %dma_start3A_76 = arith.constant 0 : i32
    %dma_start3A_77 = tpu.memref_slice %arg13[%dma_start3A_75, %dma_start3A_76] : memref<10000x128xf32, #tpu.memory_space<vmem_shared>> -> memref<10000x128xf32, #tpu.memory_space<vmem_shared>>
    tpu.enqueue_indirect_dma source(%arg11 : memref<40x128xf32, #tpu.memory_space<vmem>>) target(%dma_start3A_77 : memref<10000x128xf32, #tpu.memory_space<vmem_shared>>) offsets(%dma_start3A_74 : memref<40xi32, #tpu.memory_space<vmem>>) semaphore(%arg18 : memref<!tpu.dma_semaphore, #tpu.memory_space<semaphore_mem>>) {add = true}
    %dma_start3A_78 = arith.constant 1 : i32
    %dma_start3A_79 = arith.constant 2 : i32
    %dma_start3A_80 = arith.constant 0 : i32
    %dma_start3A_81 = tpu.memref_slice %arg6[%dma_start3A_78, %dma_start3A_79, %dma_start3A_80] : memref<2x250x40xi32, #tpu.memory_space<vmem>> -> memref<1x1x40xi32, #tpu.memory_space<vmem>>
    %dma_start3A_82 = tpu.memref_squeeze %dma_start3A_81 : memref<1x1x40xi32, #tpu.memory_space<vmem>> -> memref<40xi32, #tpu.memory_space<vmem>>
    %dma_start3A_83 = arith.constant 0 : i32
    %dma_start3A_84 = arith.constant 0 : i32
    %dma_start3A_85 = tpu.memref_slice %arg3[%dma_start3A_83, %dma_start3A_84] : memref<10000x128xbf16, #tpu.memory_space<hbm>> -> memref<10000x128xbf16, #tpu.memory_space<hbm>>
    tpu.enqueue_indirect_dma source(%dma_start3A_85 : memref<10000x128xbf16, #tpu.memory_space<hbm>>) target(%arg7 : memref<40x128xbf16, #tpu.memory_space<vmem>>) offsets(%dma_start3A_82 : memref<40xi32, #tpu.memory_space<vmem>>) semaphore(%arg14 : memref<!tpu.dma_semaphore, #tpu.memory_space<semaphore_mem>>)
    %dma_start3A_86 = arith.constant 0 : i32
    %dma_start3A_87 = arith.constant 2 : i32
    %dma_start3A_88 = arith.constant 0 : i32
    %dma_start3A_89 = tpu.memref_slice %arg6[%dma_start3A_86, %dma_start3A_87, %dma_start3A_88] : memref<2x250x40xi32, #tpu.memory_space<vmem>> -> memref<1x1x40xi32, #tpu.memory_space<vmem>>
    %dma_start3A_90 = tpu.memref_squeeze %dma_start3A_89 : memref<1x1x40xi32, #tpu.memory_space<vmem>> -> memref<40xi32, #tpu.memory_space<vmem>>
    %dma_start3A_91 = arith.constant 0 : i32
    %dma_start3A_92 = arith.constant 0 : i32
    %dma_start3A_93 = tpu.memref_slice %arg4[%dma_start3A_91, %dma_start3A_92] : memref<10000x256xbf16, #tpu.memory_space<hbm>> -> memref<10000x256xbf16, #tpu.memory_space<hbm>>
    tpu.enqueue_indirect_dma source(%dma_start3A_93 : memref<10000x256xbf16, #tpu.memory_space<hbm>>) target(%arg9 : memref<40x256xbf16, #tpu.memory_space<vmem>>) offsets(%dma_start3A_90 : memref<40xi32, #tpu.memory_space<vmem>>) semaphore(%arg16 : memref<!tpu.dma_semaphore, #tpu.memory_space<semaphore_mem>>)
    %dma_wait3A_94 = arith.constant 1 : i32
    %dma_wait3A_95 = arith.constant 1 : i32
    %dma_wait3A_96 = arith.constant 0 : i32
    %dma_wait3A_97 = tpu.memref_slice %arg6[%dma_wait3A_94, %dma_wait3A_95, %dma_wait3A_96] : memref<2x250x40xi32, #tpu.memory_space<vmem>> -> memref<1x1x40xi32, #tpu.memory_space<vmem>>
    %dma_wait3A_98 = tpu.memref_squeeze %dma_wait3A_97 : memref<1x1x40xi32, #tpu.memory_space<vmem>> -> memref<40xi32, #tpu.memory_space<vmem>>
    %dma_wait3A_99 = arith.constant 0 : i32
    %dma_wait3A_100 = arith.constant 0 : i32
    %dma_wait3A_101 = tpu.memref_slice %arg3[%dma_wait3A_99, %dma_wait3A_100] : memref<10000x128xbf16, #tpu.memory_space<hbm>> -> memref<10000x128xbf16, #tpu.memory_space<hbm>>
    tpu.wait_indirect_dma semaphore(%arg15 : memref<!tpu.dma_semaphore, #tpu.memory_space<semaphore_mem>>) src(%dma_wait3A_101 : memref<10000x128xbf16, #tpu.memory_space<hbm>>) dst(%arg8 : memref<40x128xbf16, #tpu.memory_space<vmem>>)
    %dma_wait3A_102 = arith.constant 0 : i32
    %dma_wait3A_103 = arith.constant 1 : i32
    %dma_wait3A_104 = arith.constant 0 : i32
    %dma_wait3A_105 = tpu.memref_slice %arg6[%dma_wait3A_102, %dma_wait3A_103, %dma_wait3A_104] : memref<2x250x40xi32, #tpu.memory_space<vmem>> -> memref<1x1x40xi32, #tpu.memory_space<vmem>>
    %dma_wait3A_106 = tpu.memref_squeeze %dma_wait3A_105 : memref<1x1x40xi32, #tpu.memory_space<vmem>> -> memref<40xi32, #tpu.memory_space<vmem>>
    %dma_wait3A_107 = arith.constant 0 : i32
    %dma_wait3A_108 = arith.constant 0 : i32
    %dma_wait3A_109 = tpu.memref_slice %arg4[%dma_wait3A_107, %dma_wait3A_108] : memref<10000x256xbf16, #tpu.memory_space<hbm>> -> memref<10000x256xbf16, #tpu.memory_space<hbm>>
    tpu.wait_indirect_dma semaphore(%arg17 : memref<!tpu.dma_semaphore, #tpu.memory_space<semaphore_mem>>) src(%dma_wait3A_109 : memref<10000x256xbf16, #tpu.memory_space<hbm>>) dst(%arg10 : memref<40x256xbf16, #tpu.memory_space<vmem>>)
    %scan3A_110 = arith.constant 0 : i32
    %scan3A_111 = arith.constant 40 : i32
    %scan3A_112 = arith.addi %scan3A_110, %scan3A_111 : i32
    %scan3A_113 = arith.constant 1 : i32
    scf.for %scan3A_239 = %scan3A_110 to %scan3A_112 step %scan3A_113  : i32 {
      %mul3A_240 = arith.constant 1 : i32
      %mul3A_241 = arith.muli %scan3A_239, %mul3A_240 : i32
      %add3A_242 = arith.constant 0 : i32
      %add3A_243 = arith.addi %add3A_242, %mul3A_241 : i32
      %get3A = arith.index_cast %add3A_243 : i32 to index
      %get3A_244 = arith.constant 0 : index
      %get3A_245 = tpu.vector_load %arg8[%get3A, %get3A_244] {strides = array<i32>} : memref<40x128xbf16, #tpu.memory_space<vmem>>, vector<32xbf16>,
      %get3A_246 = arith.index_cast %add3A_243 : i32 to index
      %get3A_247 = arith.constant 32 : index
      %get3A_248 = tpu.vector_load %arg8[%get3A_246, %get3A_247] {strides = array<i32>} : memref<40x128xbf16, #tpu.memory_space<vmem>>, vector<32xbf16>,
      %get3A_249 = arith.index_cast %add3A_243 : i32 to index
      %get3A_250 = arith.constant 64 : index
      %get3A_251 = tpu.vector_load %arg8[%get3A_249, %get3A_250] {strides = array<i32>} : memref<40x128xbf16, #tpu.memory_space<vmem>>, vector<32xbf16>,
      %get3A_252 = arith.index_cast %add3A_243 : i32 to index
      %get3A_253 = arith.constant 96 : index
      %get3A_254 = tpu.vector_load %arg8[%get3A_252, %get3A_253] {strides = array<i32>} : memref<40x128xbf16, #tpu.memory_space<vmem>>, vector<32xbf16>,
      %get3A_255 = arith.index_cast %add3A_243 : i32 to index
      %get3A_256 = arith.constant 0 : index
      %get3A_257 = tpu.vector_load %arg10[%get3A_255, %get3A_256] {strides = array<i32>} : memref<40x256xbf16, #tpu.memory_space<vmem>>, vector<32xbf16>,
      %get3A_258 = arith.index_cast %add3A_243 : i32 to index
      %get3A_259 = arith.constant 32 : index
      %get3A_260 = tpu.vector_load %arg10[%get3A_258, %get3A_259] {strides = array<i32>} : memref<40x256xbf16, #tpu.memory_space<vmem>>, vector<32xbf16>,
      %get3A_261 = arith.index_cast %add3A_243 : i32 to index
      %get3A_262 = arith.constant 64 : index
      %get3A_263 = tpu.vector_load %arg10[%get3A_261, %get3A_262] {strides = array<i32>} : memref<40x256xbf16, #tpu.memory_space<vmem>>, vector<32xbf16>,
      %get3A_264 = arith.index_cast %add3A_243 : i32 to index
      %get3A_265 = arith.constant 96 : index
      %get3A_266 = tpu.vector_load %arg10[%get3A_264, %get3A_265] {strides = array<i32>} : memref<40x256xbf16, #tpu.memory_space<vmem>>, vector<32xbf16>,
      %add3A_267 = arith.addf %get3A_245, %get3A_257 : vector<32xbf16>
      %exp3A = math.exp %add3A_267 : vector<32xbf16>
      %add3A_268 = arith.addf %get3A_248, %get3A_260 : vector<32xbf16>
      %exp3A_269 = math.exp %add3A_268 : vector<32xbf16>
      %add3A_270 = arith.addf %get3A_251, %get3A_263 : vector<32xbf16>
      %exp3A_271 = math.exp %add3A_270 : vector<32xbf16>
      %add3A_272 = arith.addf %get3A_254, %get3A_266 : vector<32xbf16>
      %exp3A_273 = math.exp %add3A_272 : vector<32xbf16>
      %add3A_274 = arith.constant 1.000000e+00 : bf16
      %add3A_275 = vector.broadcast %add3A_274 : bf16 to vector<32xbf16>
      %add3A_276 = arith.addf %add3A_275, %exp3A : vector<32xbf16>
      %div3A = arith.constant 1.000000e+00 : bf16
      %div3A_277 = vector.broadcast %div3A : bf16 to vector<32xbf16>
      %div3A_278 = arith.divf %div3A_277, %add3A_276 : vector<32xbf16>
      %add3A_279 = arith.constant 1.000000e+00 : bf16
      %add3A_280 = vector.broadcast %add3A_279 : bf16 to vector<32xbf16>
      %add3A_281 = arith.addf %add3A_280, %exp3A_269 : vector<32xbf16>
      %div3A_282 = arith.constant 1.000000e+00 : bf16
      %div3A_283 = vector.broadcast %div3A_282 : bf16 to vector<32xbf16>
      %div3A_284 = arith.divf %div3A_283, %add3A_281 : vector<32xbf16>
      %add3A_285 = arith.constant 1.000000e+00 : bf16
      %add3A_286 = vector.broadcast %add3A_285 : bf16 to vector<32xbf16>
      %add3A_287 = arith.addf %add3A_286, %exp3A_271 : vector<32xbf16>
      %div3A_288 = arith.constant 1.000000e+00 : bf16
      %div3A_289 = vector.broadcast %div3A_288 : bf16 to vector<32xbf16>
      %div3A_290 = arith.divf %div3A_289, %add3A_287 : vector<32xbf16>
      %add3A_291 = arith.constant 1.000000e+00 : bf16
      %add3A_292 = vector.broadcast %add3A_291 : bf16 to vector<32xbf16>
      %add3A_293 = arith.addf %add3A_292, %exp3A_273 : vector<32xbf16>
      %div3A_294 = arith.constant 1.000000e+00 : bf16
      %div3A_295 = vector.broadcast %div3A_294 : bf16 to vector<32xbf16>
      %div3A_296 = arith.divf %div3A_295, %add3A_293 : vector<32xbf16>
      %get3A_297 = arith.index_cast %add3A_243 : i32 to index
      %get3A_298 = arith.constant 128 : index
      %get3A_299 = tpu.vector_load %arg10[%get3A_297, %get3A_298] {strides = array<i32>} : memref<40x256xbf16, #tpu.memory_space<vmem>>, vector<32xbf16>,
      %get3A_300 = arith.index_cast %add3A_243 : i32 to index
      %get3A_301 = arith.constant 160 : index
      %get3A_302 = tpu.vector_load %arg10[%get3A_300, %get3A_301] {strides = array<i32>} : memref<40x256xbf16, #tpu.memory_space<vmem>>, vector<32xbf16>,
      %get3A_303 = arith.index_cast %add3A_243 : i32 to index
      %get3A_304 = arith.constant 192 : index
      %get3A_305 = tpu.vector_load %arg10[%get3A_303, %get3A_304] {strides = array<i32>} : memref<40x256xbf16, #tpu.memory_space<vmem>>, vector<32xbf16>,
      %get3A_306 = arith.index_cast %add3A_243 : i32 to index
      %get3A_307 = arith.constant 224 : index
      %get3A_308 = tpu.vector_load %arg10[%get3A_306, %get3A_307] {strides = array<i32>} : memref<40x256xbf16, #tpu.memory_space<vmem>>, vector<32xbf16>,
      %mul3A_309 = arith.mulf %div3A_278, %get3A_299 : vector<32xbf16>
      %mul3A_310 = arith.mulf %div3A_284, %get3A_302 : vector<32xbf16>
      %mul3A_311 = arith.mulf %div3A_290, %get3A_305 : vector<32xbf16>
      %mul3A_312 = arith.mulf %div3A_296, %get3A_308 : vector<32xbf16>
      %bitcast3A = vector.bitcast %mul3A_309 : vector<32xbf16> to vector<16xi32>
      %shift_left3A = arith.shli %bitcast3A, %broadcast_in_dim3A_16 : vector<16xi32>
      %bitcast3A_313 = vector.bitcast %shift_left3A : vector<16xi32> to vector<16xf32>
      %swap3A = arith.index_cast %add3A_243 : i32 to index
      %swap3A_314 = arith.constant 0 : index
      %swap3A_315 = tpu.vector_load %arg12[%swap3A, %swap3A_314] {strides = array<i32>} : memref<40x128xf32, #tpu.memory_space<vmem>>, vector<16xf32>,
      tpu.vector_store %arg12[%swap3A, %swap3A_314], %bitcast3A_313 {strides = array<i32>} : memref<40x128xf32, #tpu.memory_space<vmem>>, vector<16xf32>,
      %and3A = arith.andi %bitcast3A, %broadcast_in_dim3A_18 : vector<16xi32>
      %bitcast3A_316 = vector.bitcast %and3A : vector<16xi32> to vector<16xf32>
      %swap3A_317 = arith.index_cast %add3A_243 : i32 to index
      %swap3A_318 = arith.constant 16 : index
      %swap3A_319 = tpu.vector_load %arg12[%swap3A_317, %swap3A_318] {strides = array<i32>} : memref<40x128xf32, #tpu.memory_space<vmem>>, vector<16xf32>,
      tpu.vector_store %arg12[%swap3A_317, %swap3A_318], %bitcast3A_316 {strides = array<i32>} : memref<40x128xf32, #tpu.memory_space<vmem>>, vector<16xf32>,
      %bitcast3A_320 = vector.bitcast %mul3A_310 : vector<32xbf16> to vector<16xi32>
      %shift_left3A_321 = arith.shli %bitcast3A_320, %broadcast_in_dim3A_16 : vector<16xi32>
      %bitcast3A_322 = vector.bitcast %shift_left3A_321 : vector<16xi32> to vector<16xf32>
      %swap3A_323 = arith.index_cast %add3A_243 : i32 to index
      %swap3A_324 = arith.constant 32 : index
      %swap3A_325 = tpu.vector_load %arg12[%swap3A_323, %swap3A_324] {strides = array<i32>} : memref<40x128xf32, #tpu.memory_space<vmem>>, vector<16xf32>,
      tpu.vector_store %arg12[%swap3A_323, %swap3A_324], %bitcast3A_322 {strides = array<i32>} : memref<40x128xf32, #tpu.memory_space<vmem>>, vector<16xf32>,
      %and3A_326 = arith.andi %bitcast3A_320, %broadcast_in_dim3A_18 : vector<16xi32>
      %bitcast3A_327 = vector.bitcast %and3A_326 : vector<16xi32> to vector<16xf32>
      %swap3A_328 = arith.index_cast %add3A_243 : i32 to index
      %swap3A_329 = arith.constant 48 : index
      %swap3A_330 = tpu.vector_load %arg12[%swap3A_328, %swap3A_329] {strides = array<i32>} : memref<40x128xf32, #tpu.memory_space<vmem>>, vector<16xf32>,
      tpu.vector_store %arg12[%swap3A_328, %swap3A_329], %bitcast3A_327 {strides = array<i32>} : memref<40x128xf32, #tpu.memory_space<vmem>>, vector<16xf32>,
      %bitcast3A_331 = vector.bitcast %mul3A_311 : vector<32xbf16> to vector<16xi32>
      %shift_left3A_332 = arith.shli %bitcast3A_331, %broadcast_in_dim3A_16 : vector<16xi32>
      %bitcast3A_333 = vector.bitcast %shift_left3A_332 : vector<16xi32> to vector<16xf32>
      %swap3A_334 = arith.index_cast %add3A_243 : i32 to index
      %swap3A_335 = arith.constant 64 : index
      %swap3A_336 = tpu.vector_load %arg12[%swap3A_334, %swap3A_335] {strides = array<i32>} : memref<40x128xf32, #tpu.memory_space<vmem>>, vector<16xf32>,
      tpu.vector_store %arg12[%swap3A_334, %swap3A_335], %bitcast3A_333 {strides = array<i32>} : memref<40x128xf32, #tpu.memory_space<vmem>>, vector<16xf32>,
      %and3A_337 = arith.andi %bitcast3A_331, %broadcast_in_dim3A_18 : vector<16xi32>
      %bitcast3A_338 = vector.bitcast %and3A_337 : vector<16xi32> to vector<16xf32>
      %swap3A_339 = arith.index_cast %add3A_243 : i32 to index
      %swap3A_340 = arith.constant 80 : index
      %swap3A_341 = tpu.vector_load %arg12[%swap3A_339, %swap3A_340] {strides = array<i32>} : memref<40x128xf32, #tpu.memory_space<vmem>>, vector<16xf32>,
      tpu.vector_store %arg12[%swap3A_339, %swap3A_340], %bitcast3A_338 {strides = array<i32>} : memref<40x128xf32, #tpu.memory_space<vmem>>, vector<16xf32>,
      %bitcast3A_342 = vector.bitcast %mul3A_312 : vector<32xbf16> to vector<16xi32>
      %shift_left3A_343 = arith.shli %bitcast3A_342, %broadcast_in_dim3A_16 : vector<16xi32>
      %bitcast3A_344 = vector.bitcast %shift_left3A_343 : vector<16xi32> to vector<16xf32>
      %swap3A_345 = arith.index_cast %add3A_243 : i32 to index
      %swap3A_346 = arith.constant 96 : index
      %swap3A_347 = tpu.vector_load %arg12[%swap3A_345, %swap3A_346] {strides = array<i32>} : memref<40x128xf32, #tpu.memory_space<vmem>>, vector<16xf32>,
      tpu.vector_store %arg12[%swap3A_345, %swap3A_346], %bitcast3A_344 {strides = array<i32>} : memref<40x128xf32, #tpu.memory_space<vmem>>, vector<16xf32>,
      %and3A_348 = arith.andi %bitcast3A_342, %broadcast_in_dim3A_18 : vector<16xi32>
      %bitcast3A_349 = vector.bitcast %and3A_348 : vector<16xi32> to vector<16xf32>
      %swap3A_350 = arith.index_cast %add3A_243 : i32 to index
      %swap3A_351 = arith.constant 112 : index
      %swap3A_352 = tpu.vector_load %arg12[%swap3A_350, %swap3A_351] {strides = array<i32>} : memref<40x128xf32, #tpu.memory_space<vmem>>, vector<16xf32>,
      tpu.vector_store %arg12[%swap3A_350, %swap3A_351], %bitcast3A_349 {strides = array<i32>} : memref<40x128xf32, #tpu.memory_space<vmem>>, vector<16xf32>,
    }
    %scan3A_114 = arith.constant 40 : i32
    %dma_start3A_115 = arith.constant 1 : i32
    %dma_start3A_116 = arith.constant 1 : i32
    %dma_start3A_117 = arith.constant 0 : i32
    %dma_start3A_118 = tpu.memref_slice %arg6[%dma_start3A_115, %dma_start3A_116, %dma_start3A_117] : memref<2x250x40xi32, #tpu.memory_space<vmem>> -> memref<1x1x40xi32, #tpu.memory_space<vmem>>
    %dma_start3A_119 = tpu.memref_squeeze %dma_start3A_118 : memref<1x1x40xi32, #tpu.memory_space<vmem>> -> memref<40xi32, #tpu.memory_space<vmem>>
    %dma_start3A_120 = arith.constant 0 : i32
    %dma_start3A_121 = arith.constant 0 : i32
    %dma_start3A_122 = tpu.memref_slice %arg13[%dma_start3A_120, %dma_start3A_121] : memref<10000x128xf32, #tpu.memory_space<vmem_shared>> -> memref<10000x128xf32, #tpu.memory_space<vmem_shared>>
    tpu.enqueue_indirect_dma source(%arg12 : memref<40x128xf32, #tpu.memory_space<vmem>>) target(%dma_start3A_122 : memref<10000x128xf32, #tpu.memory_space<vmem_shared>>) offsets(%dma_start3A_119 : memref<40xi32, #tpu.memory_space<vmem>>) semaphore(%arg19 : memref<!tpu.dma_semaphore, #tpu.memory_space<semaphore_mem>>) {add = true}
    %scan3A_123 = arith.constant 0 : i32
    %scan3A_124 = arith.constant 123 : i32
    %scan3A_125 = arith.addi %scan3A_123, %scan3A_124 : i32
    %scan3A_126 = arith.constant 1 : i32
    scf.for %scan3A_239 = %scan3A_123 to %scan3A_125 step %scan3A_126  : i32 {
      %mul3A_240 = arith.constant 1 : i32
      %mul3A_241 = arith.muli %scan3A_239, %mul3A_240 : i32
      %add3A_242 = arith.constant 1 : i32
      %add3A_243 = arith.addi %add3A_242, %mul3A_241 : i32
      %mul3A_244 = arith.constant 2 : i32
      %mul3A_245 = arith.muli %mul3A_244, %add3A_243 : i32
      %add3A_246 = arith.constant 0 : i32
      %add3A_247 = arith.addi %mul3A_245, %add3A_246 : i32
      %add3A_248 = arith.constant 1 : i32
      %add3A_249 = arith.addi %add3A_247, %add3A_248 : i32
      %dma_start3A_250 = arith.constant 1 : i32
      %dma_start3A_251 = arith.constant 0 : i32
      %dma_start3A_252 = tpu.memref_slice %arg6[%dma_start3A_250, %add3A_249, %dma_start3A_251] : memref<2x250x40xi32, #tpu.memory_space<vmem>> -> memref<1x1x40xi32, #tpu.memory_space<vmem>>
      %dma_start3A_253 = tpu.memref_squeeze %dma_start3A_252 : memref<1x1x40xi32, #tpu.memory_space<vmem>> -> memref<40xi32, #tpu.memory_space<vmem>>
      %dma_start3A_254 = arith.constant 0 : i32
      %dma_start3A_255 = arith.constant 0 : i32
      %dma_start3A_256 = tpu.memref_slice %arg3[%dma_start3A_254, %dma_start3A_255] : memref<10000x128xbf16, #tpu.memory_space<hbm>> -> memref<10000x128xbf16, #tpu.memory_space<hbm>>
      tpu.enqueue_indirect_dma source(%dma_start3A_256 : memref<10000x128xbf16, #tpu.memory_space<hbm>>) target(%arg8 : memref<40x128xbf16, #tpu.memory_space<vmem>>) offsets(%dma_start3A_253 : memref<40xi32, #tpu.memory_space<vmem>>) semaphore(%arg15 : memref<!tpu.dma_semaphore, #tpu.memory_space<semaphore_mem>>)
      %dma_start3A_257 = arith.constant 0 : i32
      %dma_start3A_258 = arith.constant 0 : i32
      %dma_start3A_259 = tpu.memref_slice %arg6[%dma_start3A_257, %add3A_249, %dma_start3A_258] : memref<2x250x40xi32, #tpu.memory_space<vmem>> -> memref<1x1x40xi32, #tpu.memory_space<vmem>>
      %dma_start3A_260 = tpu.memref_squeeze %dma_start3A_259 : memref<1x1x40xi32, #tpu.memory_space<vmem>> -> memref<40xi32, #tpu.memory_space<vmem>>
      %dma_start3A_261 = arith.constant 0 : i32
      %dma_start3A_262 = arith.constant 0 : i32
      %dma_start3A_263 = tpu.memref_slice %arg4[%dma_start3A_261, %dma_start3A_262] : memref<10000x256xbf16, #tpu.memory_space<hbm>> -> memref<10000x256xbf16, #tpu.memory_space<hbm>>
      tpu.enqueue_indirect_dma source(%dma_start3A_263 : memref<10000x256xbf16, #tpu.memory_space<hbm>>) target(%arg10 : memref<40x256xbf16, #tpu.memory_space<vmem>>) offsets(%dma_start3A_260 : memref<40xi32, #tpu.memory_space<vmem>>) semaphore(%arg17 : memref<!tpu.dma_semaphore, #tpu.memory_space<semaphore_mem>>)
      %dma_wait3A_264 = arith.constant 1 : i32
      %dma_wait3A_265 = arith.constant 0 : i32
      %dma_wait3A_266 = tpu.memref_slice %arg6[%dma_wait3A_264, %add3A_247, %dma_wait3A_265] : memref<2x250x40xi32, #tpu.memory_space<vmem>> -> memref<1x1x40xi32, #tpu.memory_space<vmem>>
      %dma_wait3A_267 = tpu.memref_squeeze %dma_wait3A_266 : memref<1x1x40xi32, #tpu.memory_space<vmem>> -> memref<40xi32, #tpu.memory_space<vmem>>
      %dma_wait3A_268 = arith.constant 0 : i32
      %dma_wait3A_269 = arith.constant 0 : i32
      %dma_wait3A_270 = tpu.memref_slice %arg3[%dma_wait3A_268, %dma_wait3A_269] : memref<10000x128xbf16, #tpu.memory_space<hbm>> -> memref<10000x128xbf16, #tpu.memory_space<hbm>>
      tpu.wait_indirect_dma semaphore(%arg14 : memref<!tpu.dma_semaphore, #tpu.memory_space<semaphore_mem>>) src(%dma_wait3A_270 : memref<10000x128xbf16, #tpu.memory_space<hbm>>) dst(%arg7 : memref<40x128xbf16, #tpu.memory_space<vmem>>)
      %dma_wait3A_271 = arith.constant 0 : i32
      %dma_wait3A_272 = arith.constant 0 : i32
      %dma_wait3A_273 = tpu.memref_slice %arg6[%dma_wait3A_271, %add3A_247, %dma_wait3A_272] : memref<2x250x40xi32, #tpu.memory_space<vmem>> -> memref<1x1x40xi32, #tpu.memory_space<vmem>>
      %dma_wait3A_274 = tpu.memref_squeeze %dma_wait3A_273 : memref<1x1x40xi32, #tpu.memory_space<vmem>> -> memref<40xi32, #tpu.memory_space<vmem>>
      %dma_wait3A_275 = arith.constant 0 : i32
      %dma_wait3A_276 = arith.constant 0 : i32
      %dma_wait3A_277 = tpu.memref_slice %arg4[%dma_wait3A_275, %dma_wait3A_276] : memref<10000x256xbf16, #tpu.memory_space<hbm>> -> memref<10000x256xbf16, #tpu.memory_space<hbm>>
      tpu.wait_indirect_dma semaphore(%arg16 : memref<!tpu.dma_semaphore, #tpu.memory_space<semaphore_mem>>) src(%dma_wait3A_277 : memref<10000x256xbf16, #tpu.memory_space<hbm>>) dst(%arg9 : memref<40x256xbf16, #tpu.memory_space<vmem>>)
      %dma_wait3A_278 = arith.constant 1 : i32
      %dma_wait3A_279 = arith.constant 0 : i32
      %dma_wait3A_280 = tpu.memref_slice %arg6[%dma_wait3A_278, %add3A_247, %dma_wait3A_279] : memref<2x250x40xi32, #tpu.memory_space<vmem>> -> memref<1x1x40xi32, #tpu.memory_space<vmem>>
      %dma_wait3A_281 = tpu.memref_squeeze %dma_wait3A_280 : memref<1x1x40xi32, #tpu.memory_space<vmem>> -> memref<40xi32, #tpu.memory_space<vmem>>
      %dma_wait3A_282 = arith.constant 0 : i32
      %dma_wait3A_283 = arith.constant 0 : i32
      %dma_wait3A_284 = tpu.memref_slice %arg13[%dma_wait3A_282, %dma_wait3A_283] : memref<10000x128xf32, #tpu.memory_space<vmem_shared>> -> memref<10000x128xf32, #tpu.memory_space<vmem_shared>>
      tpu.wait_indirect_dma semaphore(%arg18 : memref<!tpu.dma_semaphore, #tpu.memory_space<semaphore_mem>>) src(%arg11 : memref<40x128xf32, #tpu.memory_space<vmem>>) dst(%dma_wait3A_284 : memref<10000x128xf32, #tpu.memory_space<vmem_shared>>)
      %scan3A_285 = arith.constant 0 : i32
      %scan3A_286 = arith.constant 40 : i32
      %scan3A_287 = arith.addi %scan3A_285, %scan3A_286 : i32
      %scan3A_288 = arith.constant 1 : i32
      scf.for %scan3A_350 = %scan3A_285 to %scan3A_287 step %scan3A_288  : i32 {
        %mul3A_351 = arith.constant 1 : i32
        %mul3A_352 = arith.muli %scan3A_350, %mul3A_351 : i32
        %add3A_353 = arith.constant 0 : i32
        %add3A_354 = arith.addi %add3A_353, %mul3A_352 : i32
        %get3A = arith.index_cast %add3A_354 : i32 to index
        %get3A_355 = arith.constant 0 : index
        %get3A_356 = tpu.vector_load %arg7[%get3A, %get3A_355] {strides = array<i32>} : memref<40x128xbf16, #tpu.memory_space<vmem>>, vector<32xbf16>,
        %get3A_357 = arith.index_cast %add3A_354 : i32 to index
        %get3A_358 = arith.constant 32 : index
        %get3A_359 = tpu.vector_load %arg7[%get3A_357, %get3A_358] {strides = array<i32>} : memref<40x128xbf16, #tpu.memory_space<vmem>>, vector<32xbf16>,
        %get3A_360 = arith.index_cast %add3A_354 : i32 to index
        %get3A_361 = arith.constant 64 : index
        %get3A_362 = tpu.vector_load %arg7[%get3A_360, %get3A_361] {strides = array<i32>} : memref<40x128xbf16, #tpu.memory_space<vmem>>, vector<32xbf16>,
        %get3A_363 = arith.index_cast %add3A_354 : i32 to index
        %get3A_364 = arith.constant 96 : index
        %get3A_365 = tpu.vector_load %arg7[%get3A_363, %get3A_364] {strides = array<i32>} : memref<40x128xbf16, #tpu.memory_space<vmem>>, vector<32xbf16>,
        %get3A_366 = arith.index_cast %add3A_354 : i32 to index
        %get3A_367 = arith.constant 0 : index
        %get3A_368 = tpu.vector_load %arg9[%get3A_366, %get3A_367] {strides = array<i32>} : memref<40x256xbf16, #tpu.memory_space<vmem>>, vector<32xbf16>,
        %get3A_369 = arith.index_cast %add3A_354 : i32 to index
        %get3A_370 = arith.constant 32 : index
        %get3A_371 = tpu.vector_load %arg9[%get3A_369, %get3A_370] {strides = array<i32>} : memref<40x256xbf16, #tpu.memory_space<vmem>>, vector<32xbf16>,
        %get3A_372 = arith.index_cast %add3A_354 : i32 to index
        %get3A_373 = arith.constant 64 : index
        %get3A_374 = tpu.vector_load %arg9[%get3A_372, %get3A_373] {strides = array<i32>} : memref<40x256xbf16, #tpu.memory_space<vmem>>, vector<32xbf16>,
        %get3A_375 = arith.index_cast %add3A_354 : i32 to index
        %get3A_376 = arith.constant 96 : index
        %get3A_377 = tpu.vector_load %arg9[%get3A_375, %get3A_376] {strides = array<i32>} : memref<40x256xbf16, #tpu.memory_space<vmem>>, vector<32xbf16>,
        %add3A_378 = arith.addf %get3A_356, %get3A_368 : vector<32xbf16>
        %exp3A = math.exp %add3A_378 : vector<32xbf16>
        %add3A_379 = arith.addf %get3A_359, %get3A_371 : vector<32xbf16>
        %exp3A_380 = math.exp %add3A_379 : vector<32xbf16>
        %add3A_381 = arith.addf %get3A_362, %get3A_374 : vector<32xbf16>
        %exp3A_382 = math.exp %add3A_381 : vector<32xbf16>
        %add3A_383 = arith.addf %get3A_365, %get3A_377 : vector<32xbf16>
        %exp3A_384 = math.exp %add3A_383 : vector<32xbf16>
        %add3A_385 = arith.constant 1.000000e+00 : bf16
        %add3A_386 = vector.broadcast %add3A_385 : bf16 to vector<32xbf16>
        %add3A_387 = arith.addf %add3A_386, %exp3A : vector<32xbf16>
        %div3A = arith.constant 1.000000e+00 : bf16
        %div3A_388 = vector.broadcast %div3A : bf16 to vector<32xbf16>
        %div3A_389 = arith.divf %div3A_388, %add3A_387 : vector<32xbf16>
        %add3A_390 = arith.constant 1.000000e+00 : bf16
        %add3A_391 = vector.broadcast %add3A_390 : bf16 to vector<32xbf16>
        %add3A_392 = arith.addf %add3A_391, %exp3A_380 : vector<32xbf16>
        %div3A_393 = arith.constant 1.000000e+00 : bf16
        %div3A_394 = vector.broadcast %div3A_393 : bf16 to vector<32xbf16>
        %div3A_395 = arith.divf %div3A_394, %add3A_392 : vector<32xbf16>
        %add3A_396 = arith.constant 1.000000e+00 : bf16
        %add3A_397 = vector.broadcast %add3A_396 : bf16 to vector<32xbf16>
        %add3A_398 = arith.addf %add3A_397, %exp3A_382 : vector<32xbf16>
        %div3A_399 = arith.constant 1.000000e+00 : bf16
        %div3A_400 = vector.broadcast %div3A_399 : bf16 to vector<32xbf16>
        %div3A_401 = arith.divf %div3A_400, %add3A_398 : vector<32xbf16>
        %add3A_402 = arith.constant 1.000000e+00 : bf16
        %add3A_403 = vector.broadcast %add3A_402 : bf16 to vector<32xbf16>
        %add3A_404 = arith.addf %add3A_403, %exp3A_384 : vector<32xbf16>
        %div3A_405 = arith.constant 1.000000e+00 : bf16
        %div3A_406 = vector.broadcast %div3A_405 : bf16 to vector<32xbf16>
        %div3A_407 = arith.divf %div3A_406, %add3A_404 : vector<32xbf16>
        %get3A_408 = arith.index_cast %add3A_354 : i32 to index
        %get3A_409 = arith.constant 128 : index
        %get3A_410 = tpu.vector_load %arg9[%get3A_408, %get3A_409] {strides = array<i32>} : memref<40x256xbf16, #tpu.memory_space<vmem>>, vector<32xbf16>,
        %get3A_411 = arith.index_cast %add3A_354 : i32 to index
        %get3A_412 = arith.constant 160 : index
        %get3A_413 = tpu.vector_load %arg9[%get3A_411, %get3A_412] {strides = array<i32>} : memref<40x256xbf16, #tpu.memory_space<vmem>>, vector<32xbf16>,
        %get3A_414 = arith.index_cast %add3A_354 : i32 to index
        %get3A_415 = arith.constant 192 : index
        %get3A_416 = tpu.vector_load %arg9[%get3A_414, %get3A_415] {strides = array<i32>} : memref<40x256xbf16, #tpu.memory_space<vmem>>, vector<32xbf16>,
        %get3A_417 = arith.index_cast %add3A_354 : i32 to index
        %get3A_418 = arith.constant 224 : index
        %get3A_419 = tpu.vector_load %arg9[%get3A_417, %get3A_418] {strides = array<i32>} : memref<40x256xbf16, #tpu.memory_space<vmem>>, vector<32xbf16>,
        %mul3A_420 = arith.mulf %div3A_389, %get3A_410 : vector<32xbf16>
        %mul3A_421 = arith.mulf %div3A_395, %get3A_413 : vector<32xbf16>
        %mul3A_422 = arith.mulf %div3A_401, %get3A_416 : vector<32xbf16>
        %mul3A_423 = arith.mulf %div3A_407, %get3A_419 : vector<32xbf16>
        %bitcast3A = vector.bitcast %mul3A_420 : vector<32xbf16> to vector<16xi32>
        %shift_left3A = arith.shli %bitcast3A, %broadcast_in_dim3A_16 : vector<16xi32>
        %bitcast3A_424 = vector.bitcast %shift_left3A : vector<16xi32> to vector<16xf32>
        %swap3A = arith.index_cast %add3A_354 : i32 to index
        %swap3A_425 = arith.constant 0 : index
        %swap3A_426 = tpu.vector_load %arg11[%swap3A, %swap3A_425] {strides = array<i32>} : memref<40x128xf32, #tpu.memory_space<vmem>>, vector<16xf32>,
        tpu.vector_store %arg11[%swap3A, %swap3A_425], %bitcast3A_424 {strides = array<i32>} : memref<40x128xf32, #tpu.memory_space<vmem>>, vector<16xf32>,
        %and3A = arith.andi %bitcast3A, %broadcast_in_dim3A_18 : vector<16xi32>
        %bitcast3A_427 = vector.bitcast %and3A : vector<16xi32> to vector<16xf32>
        %swap3A_428 = arith.index_cast %add3A_354 : i32 to index
        %swap3A_429 = arith.constant 16 : index
        %swap3A_430 = tpu.vector_load %arg11[%swap3A_428, %swap3A_429] {strides = array<i32>} : memref<40x128xf32, #tpu.memory_space<vmem>>, vector<16xf32>,
        tpu.vector_store %arg11[%swap3A_428, %swap3A_429], %bitcast3A_427 {strides = array<i32>} : memref<40x128xf32, #tpu.memory_space<vmem>>, vector<16xf32>,
        %bitcast3A_431 = vector.bitcast %mul3A_421 : vector<32xbf16> to vector<16xi32>
        %shift_left3A_432 = arith.shli %bitcast3A_431, %broadcast_in_dim3A_16 : vector<16xi32>
        %bitcast3A_433 = vector.bitcast %shift_left3A_432 : vector<16xi32> to vector<16xf32>
        %swap3A_434 = arith.index_cast %add3A_354 : i32 to index
        %swap3A_435 = arith.constant 32 : index
        %swap3A_436 = tpu.vector_load %arg11[%swap3A_434, %swap3A_435] {strides = array<i32>} : memref<40x128xf32, #tpu.memory_space<vmem>>, vector<16xf32>,
        tpu.vector_store %arg11[%swap3A_434, %swap3A_435], %bitcast3A_433 {strides = array<i32>} : memref<40x128xf32, #tpu.memory_space<vmem>>, vector<16xf32>,
        %and3A_437 = arith.andi %bitcast3A_431, %broadcast_in_dim3A_18 : vector<16xi32>
        %bitcast3A_438 = vector.bitcast %and3A_437 : vector<16xi32> to vector<16xf32>
        %swap3A_439 = arith.index_cast %add3A_354 : i32 to index
        %swap3A_440 = arith.constant 48 : index
        %swap3A_441 = tpu.vector_load %arg11[%swap3A_439, %swap3A_440] {strides = array<i32>} : memref<40x128xf32, #tpu.memory_space<vmem>>, vector<16xf32>,
        tpu.vector_store %arg11[%swap3A_439, %swap3A_440], %bitcast3A_438 {strides = array<i32>} : memref<40x128xf32, #tpu.memory_space<vmem>>, vector<16xf32>,
        %bitcast3A_442 = vector.bitcast %mul3A_422 : vector<32xbf16> to vector<16xi32>
        %shift_left3A_443 = arith.shli %bitcast3A_442, %broadcast_in_dim3A_16 : vector<16xi32>
        %bitcast3A_444 = vector.bitcast %shift_left3A_443 : vector<16xi32> to vector<16xf32>
        %swap3A_445 = arith.index_cast %add3A_354 : i32 to index
        %swap3A_446 = arith.constant 64 : index
        %swap3A_447 = tpu.vector_load %arg11[%swap3A_445, %swap3A_446] {strides = array<i32>} : memref<40x128xf32, #tpu.memory_space<vmem>>, vector<16xf32>,
        tpu.vector_store %arg11[%swap3A_445, %swap3A_446], %bitcast3A_444 {strides = array<i32>} : memref<40x128xf32, #tpu.memory_space<vmem>>, vector<16xf32>,
        %and3A_448 = arith.andi %bitcast3A_442, %broadcast_in_dim3A_18 : vector<16xi32>
        %bitcast3A_449 = vector.bitcast %and3A_448 : vector<16xi32> to vector<16xf32>
        %swap3A_450 = arith.index_cast %add3A_354 : i32 to index
        %swap3A_451 = arith.constant 80 : index
        %swap3A_452 = tpu.vector_load %arg11[%swap3A_450, %swap3A_451] {strides = array<i32>} : memref<40x128xf32, #tpu.memory_space<vmem>>, vector<16xf32>,
        tpu.vector_store %arg11[%swap3A_450, %swap3A_451], %bitcast3A_449 {strides = array<i32>} : memref<40x128xf32, #tpu.memory_space<vmem>>, vector<16xf32>,
        %bitcast3A_453 = vector.bitcast %mul3A_423 : vector<32xbf16> to vector<16xi32>
        %shift_left3A_454 = arith.shli %bitcast3A_453, %broadcast_in_dim3A_16 : vector<16xi32>
        %bitcast3A_455 = vector.bitcast %shift_left3A_454 : vector<16xi32> to vector<16xf32>
        %swap3A_456 = arith.index_cast %add3A_354 : i32 to index
        %swap3A_457 = arith.constant 96 : index
        %swap3A_458 = tpu.vector_load %arg11[%swap3A_456, %swap3A_457] {strides = array<i32>} : memref<40x128xf32, #tpu.memory_space<vmem>>, vector<16xf32>,
        tpu.vector_store %arg11[%swap3A_456, %swap3A_457], %bitcast3A_455 {strides = array<i32>} : memref<40x128xf32, #tpu.memory_space<vmem>>, vector<16xf32>,
        %and3A_459 = arith.andi %bitcast3A_453, %broadcast_in_dim3A_18 : vector<16xi32>
        %bitcast3A_460 = vector.bitcast %and3A_459 : vector<16xi32> to vector<16xf32>
        %swap3A_461 = arith.index_cast %add3A_354 : i32 to index
        %swap3A_462 = arith.constant 112 : index
        %swap3A_463 = tpu.vector_load %arg11[%swap3A_461, %swap3A_462] {strides = array<i32>} : memref<40x128xf32, #tpu.memory_space<vmem>>, vector<16xf32>,
        tpu.vector_store %arg11[%swap3A_461, %swap3A_462], %bitcast3A_460 {strides = array<i32>} : memref<40x128xf32, #tpu.memory_space<vmem>>, vector<16xf32>,
      }
      %scan3A_289 = arith.constant 40 : i32
      %dma_start3A_290 = arith.constant 1 : i32
      %dma_start3A_291 = arith.constant 0 : i32
      %dma_start3A_292 = tpu.memref_slice %arg6[%dma_start3A_290, %add3A_247, %dma_start3A_291] : memref<2x250x40xi32, #tpu.memory_space<vmem>> -> memref<1x1x40xi32, #tpu.memory_space<vmem>>
      %dma_start3A_293 = tpu.memref_squeeze %dma_start3A_292 : memref<1x1x40xi32, #tpu.memory_space<vmem>> -> memref<40xi32, #tpu.memory_space<vmem>>
      %dma_start3A_294 = arith.constant 0 : i32
      %dma_start3A_295 = arith.constant 0 : i32
      %dma_start3A_296 = tpu.memref_slice %arg13[%dma_start3A_294, %dma_start3A_295] : memref<10000x128xf32, #tpu.memory_space<vmem_shared>> -> memref<10000x128xf32, #tpu.memory_space<vmem_shared>>
      tpu.enqueue_indirect_dma source(%arg11 : memref<40x128xf32, #tpu.memory_space<vmem>>) target(%dma_start3A_296 : memref<10000x128xf32, #tpu.memory_space<vmem_shared>>) offsets(%dma_start3A_293 : memref<40xi32, #tpu.memory_space<vmem>>) semaphore(%arg18 : memref<!tpu.dma_semaphore, #tpu.memory_space<semaphore_mem>>) {add = true}
      %mul3A_297 = arith.constant 2 : i32
      %mul3A_298 = arith.muli %mul3A_297, %add3A_243 : i32
      %add3A_299 = arith.constant 1 : i32
      %add3A_300 = arith.addi %mul3A_298, %add3A_299 : i32
      %add3A_301 = arith.constant 1 : i32
      %add3A_302 = arith.addi %add3A_300, %add3A_301 : i32
      %dma_start3A_303 = arith.constant 1 : i32
      %dma_start3A_304 = arith.constant 0 : i32
      %dma_start3A_305 = tpu.memref_slice %arg6[%dma_start3A_303, %add3A_302, %dma_start3A_304] : memref<2x250x40xi32, #tpu.memory_space<vmem>> -> memref<1x1x40xi32, #tpu.memory_space<vmem>>
      %dma_start3A_306 = tpu.memref_squeeze %dma_start3A_305 : memref<1x1x40xi32, #tpu.memory_space<vmem>> -> memref<40xi32, #tpu.memory_space<vmem>>
      %dma_start3A_307 = arith.constant 0 : i32
      %dma_start3A_308 = arith.constant 0 : i32
      %dma_start3A_309 = tpu.memref_slice %arg3[%dma_start3A_307, %dma_start3A_308] : memref<10000x128xbf16, #tpu.memory_space<hbm>> -> memref<10000x128xbf16, #tpu.memory_space<hbm>>
      tpu.enqueue_indirect_dma source(%dma_start3A_309 : memref<10000x128xbf16, #tpu.memory_space<hbm>>) target(%arg7 : memref<40x128xbf16, #tpu.memory_space<vmem>>) offsets(%dma_start3A_306 : memref<40xi32, #tpu.memory_space<vmem>>) semaphore(%arg14 : memref<!tpu.dma_semaphore, #tpu.memory_space<semaphore_mem>>)
      %dma_start3A_310 = arith.constant 0 : i32
      %dma_start3A_311 = arith.constant 0 : i32
      %dma_start3A_312 = tpu.memref_slice %arg6[%dma_start3A_310, %add3A_302, %dma_start3A_311] : memref<2x250x40xi32, #tpu.memory_space<vmem>> -> memref<1x1x40xi32, #tpu.memory_space<vmem>>
      %dma_start3A_313 = tpu.memref_squeeze %dma_start3A_312 : memref<1x1x40xi32, #tpu.memory_space<vmem>> -> memref<40xi32, #tpu.memory_space<vmem>>
      %dma_start3A_314 = arith.constant 0 : i32
      %dma_start3A_315 = arith.constant 0 : i32
      %dma_start3A_316 = tpu.memref_slice %arg4[%dma_start3A_314, %dma_start3A_315] : memref<10000x256xbf16, #tpu.memory_space<hbm>> -> memref<10000x256xbf16, #tpu.memory_space<hbm>>
      tpu.enqueue_indirect_dma source(%dma_start3A_316 : memref<10000x256xbf16, #tpu.memory_space<hbm>>) target(%arg9 : memref<40x256xbf16, #tpu.memory_space<vmem>>) offsets(%dma_start3A_313 : memref<40xi32, #tpu.memory_space<vmem>>) semaphore(%arg16 : memref<!tpu.dma_semaphore, #tpu.memory_space<semaphore_mem>>)
      %dma_wait3A_317 = arith.constant 1 : i32
      %dma_wait3A_318 = arith.constant 0 : i32
      %dma_wait3A_319 = tpu.memref_slice %arg6[%dma_wait3A_317, %add3A_300, %dma_wait3A_318] : memref<2x250x40xi32, #tpu.memory_space<vmem>> -> memref<1x1x40xi32, #tpu.memory_space<vmem>>
      %dma_wait3A_320 = tpu.memref_squeeze %dma_wait3A_319 : memref<1x1x40xi32, #tpu.memory_space<vmem>> -> memref<40xi32, #tpu.memory_space<vmem>>
      %dma_wait3A_321 = arith.constant 0 : i32
      %dma_wait3A_322 = arith.constant 0 : i32
      %dma_wait3A_323 = tpu.memref_slice %arg3[%dma_wait3A_321, %dma_wait3A_322] : memref<10000x128xbf16, #tpu.memory_space<hbm>> -> memref<10000x128xbf16, #tpu.memory_space<hbm>>
      tpu.wait_indirect_dma semaphore(%arg15 : memref<!tpu.dma_semaphore, #tpu.memory_space<semaphore_mem>>) src(%dma_wait3A_323 : memref<10000x128xbf16, #tpu.memory_space<hbm>>) dst(%arg8 : memref<40x128xbf16, #tpu.memory_space<vmem>>)
      %dma_wait3A_324 = arith.constant 0 : i32
      %dma_wait3A_325 = arith.constant 0 : i32
      %dma_wait3A_326 = tpu.memref_slice %arg6[%dma_wait3A_324, %add3A_300, %dma_wait3A_325] : memref<2x250x40xi32, #tpu.memory_space<vmem>> -> memref<1x1x40xi32, #tpu.memory_space<vmem>>
      %dma_wait3A_327 = tpu.memref_squeeze %dma_wait3A_326 : memref<1x1x40xi32, #tpu.memory_space<vmem>> -> memref<40xi32, #tpu.memory_space<vmem>>
      %dma_wait3A_328 = arith.constant 0 : i32
      %dma_wait3A_329 = arith.constant 0 : i32
      %dma_wait3A_330 = tpu.memref_slice %arg4[%dma_wait3A_328, %dma_wait3A_329] : memref<10000x256xbf16, #tpu.memory_space<hbm>> -> memref<10000x256xbf16, #tpu.memory_space<hbm>>
      tpu.wait_indirect_dma semaphore(%arg17 : memref<!tpu.dma_semaphore, #tpu.memory_space<semaphore_mem>>) src(%dma_wait3A_330 : memref<10000x256xbf16, #tpu.memory_space<hbm>>) dst(%arg10 : memref<40x256xbf16, #tpu.memory_space<vmem>>)
      %dma_wait3A_331 = arith.constant 1 : i32
      %dma_wait3A_332 = arith.constant 0 : i32
      %dma_wait3A_333 = tpu.memref_slice %arg6[%dma_wait3A_331, %add3A_300, %dma_wait3A_332] : memref<2x250x40xi32, #tpu.memory_space<vmem>> -> memref<1x1x40xi32, #tpu.memory_space<vmem>>
      %dma_wait3A_334 = tpu.memref_squeeze %dma_wait3A_333 : memref<1x1x40xi32, #tpu.memory_space<vmem>> -> memref<40xi32, #tpu.memory_space<vmem>>
      %dma_wait3A_335 = arith.constant 0 : i32
      %dma_wait3A_336 = arith.constant 0 : i32
      %dma_wait3A_337 = tpu.memref_slice %arg13[%dma_wait3A_335, %dma_wait3A_336] : memref<10000x128xf32, #tpu.memory_space<vmem_shared>> -> memref<10000x128xf32, #tpu.memory_space<vmem_shared>>
      tpu.wait_indirect_dma semaphore(%arg19 : memref<!tpu.dma_semaphore, #tpu.memory_space<semaphore_mem>>) src(%arg12 : memref<40x128xf32, #tpu.memory_space<vmem>>) dst(%dma_wait3A_337 : memref<10000x128xf32, #tpu.memory_space<vmem_shared>>)
      %scan3A_338 = arith.constant 0 : i32
      %scan3A_339 = arith.constant 40 : i32
      %scan3A_340 = arith.addi %scan3A_338, %scan3A_339 : i32
      %scan3A_341 = arith.constant 1 : i32
      scf.for %scan3A_350 = %scan3A_338 to %scan3A_340 step %scan3A_341  : i32 {
        %mul3A_351 = arith.constant 1 : i32
        %mul3A_352 = arith.muli %scan3A_350, %mul3A_351 : i32
        %add3A_353 = arith.constant 0 : i32
        %add3A_354 = arith.addi %add3A_353, %mul3A_352 : i32
        %get3A = arith.index_cast %add3A_354 : i32 to index
        %get3A_355 = arith.constant 0 : index
        %get3A_356 = tpu.vector_load %arg8[%get3A, %get3A_355] {strides = array<i32>} : memref<40x128xbf16, #tpu.memory_space<vmem>>, vector<32xbf16>,
        %get3A_357 = arith.index_cast %add3A_354 : i32 to index
        %get3A_358 = arith.constant 32 : index
        %get3A_359 = tpu.vector_load %arg8[%get3A_357, %get3A_358] {strides = array<i32>} : memref<40x128xbf16, #tpu.memory_space<vmem>>, vector<32xbf16>,
        %get3A_360 = arith.index_cast %add3A_354 : i32 to index
        %get3A_361 = arith.constant 64 : index
        %get3A_362 = tpu.vector_load %arg8[%get3A_360, %get3A_361] {strides = array<i32>} : memref<40x128xbf16, #tpu.memory_space<vmem>>, vector<32xbf16>,
        %get3A_363 = arith.index_cast %add3A_354 : i32 to index
        %get3A_364 = arith.constant 96 : index
        %get3A_365 = tpu.vector_load %arg8[%get3A_363, %get3A_364] {strides = array<i32>} : memref<40x128xbf16, #tpu.memory_space<vmem>>, vector<32xbf16>,
        %get3A_366 = arith.index_cast %add3A_354 : i32 to index
        %get3A_367 = arith.constant 0 : index
        %get3A_368 = tpu.vector_load %arg10[%get3A_366, %get3A_367] {strides = array<i32>} : memref<40x256xbf16, #tpu.memory_space<vmem>>, vector<32xbf16>,
        %get3A_369 = arith.index_cast %add3A_354 : i32 to index
        %get3A_370 = arith.constant 32 : index
        %get3A_371 = tpu.vector_load %arg10[%get3A_369, %get3A_370] {strides = array<i32>} : memref<40x256xbf16, #tpu.memory_space<vmem>>, vector<32xbf16>,
        %get3A_372 = arith.index_cast %add3A_354 : i32 to index
        %get3A_373 = arith.constant 64 : index
        %get3A_374 = tpu.vector_load %arg10[%get3A_372, %get3A_373] {strides = array<i32>} : memref<40x256xbf16, #tpu.memory_space<vmem>>, vector<32xbf16>,
        %get3A_375 = arith.index_cast %add3A_354 : i32 to index
        %get3A_376 = arith.constant 96 : index
        %get3A_377 = tpu.vector_load %arg10[%get3A_375, %get3A_376] {strides = array<i32>} : memref<40x256xbf16, #tpu.memory_space<vmem>>, vector<32xbf16>,
        %add3A_378 = arith.addf %get3A_356, %get3A_368 : vector<32xbf16>
        %exp3A = math.exp %add3A_378 : vector<32xbf16>
        %add3A_379 = arith.addf %get3A_359, %get3A_371 : vector<32xbf16>
        %exp3A_380 = math.exp %add3A_379 : vector<32xbf16>
        %add3A_381 = arith.addf %get3A_362, %get3A_374 : vector<32xbf16>
        %exp3A_382 = math.exp %add3A_381 : vector<32xbf16>
        %add3A_383 = arith.addf %get3A_365, %get3A_377 : vector<32xbf16>
        %exp3A_384 = math.exp %add3A_383 : vector<32xbf16>
        %add3A_385 = arith.constant 1.000000e+00 : bf16
        %add3A_386 = vector.broadcast %add3A_385 : bf16 to vector<32xbf16>
        %add3A_387 = arith.addf %add3A_386, %exp3A : vector<32xbf16>
        %div3A = arith.constant 1.000000e+00 : bf16
        %div3A_388 = vector.broadcast %div3A : bf16 to vector<32xbf16>
        %div3A_389 = arith.divf %div3A_388, %add3A_387 : vector<32xbf16>
        %add3A_390 = arith.constant 1.000000e+00 : bf16
        %add3A_391 = vector.broadcast %add3A_390 : bf16 to vector<32xbf16>
        %add3A_392 = arith.addf %add3A_391, %exp3A_380 : vector<32xbf16>
        %div3A_393 = arith.constant 1.000000e+00 : bf16
        %div3A_394 = vector.broadcast %div3A_393 : bf16 to vector<32xbf16>
        %div3A_395 = arith.divf %div3A_394, %add3A_392 : vector<32xbf16>
        %add3A_396 = arith.constant 1.000000e+00 : bf16
        %add3A_397 = vector.broadcast %add3A_396 : bf16 to vector<32xbf16>
        %add3A_398 = arith.addf %add3A_397, %exp3A_382 : vector<32xbf16>
        %div3A_399 = arith.constant 1.000000e+00 : bf16
        %div3A_400 = vector.broadcast %div3A_399 : bf16 to vector<32xbf16>
        %div3A_401 = arith.divf %div3A_400, %add3A_398 : vector<32xbf16>
        %add3A_402 = arith.constant 1.000000e+00 : bf16
        %add3A_403 = vector.broadcast %add3A_402 : bf16 to vector<32xbf16>
        %add3A_404 = arith.addf %add3A_403, %exp3A_384 : vector<32xbf16>
        %div3A_405 = arith.constant 1.000000e+00 : bf16
        %div3A_406 = vector.broadcast %div3A_405 : bf16 to vector<32xbf16>
        %div3A_407 = arith.divf %div3A_406, %add3A_404 : vector<32xbf16>
        %get3A_408 = arith.index_cast %add3A_354 : i32 to index
        %get3A_409 = arith.constant 128 : index
        %get3A_410 = tpu.vector_load %arg10[%get3A_408, %get3A_409] {strides = array<i32>} : memref<40x256xbf16, #tpu.memory_space<vmem>>, vector<32xbf16>,
        %get3A_411 = arith.index_cast %add3A_354 : i32 to index
        %get3A_412 = arith.constant 160 : index
        %get3A_413 = tpu.vector_load %arg10[%get3A_411, %get3A_412] {strides = array<i32>} : memref<40x256xbf16, #tpu.memory_space<vmem>>, vector<32xbf16>,
        %get3A_414 = arith.index_cast %add3A_354 : i32 to index
        %get3A_415 = arith.constant 192 : index
        %get3A_416 = tpu.vector_load %arg10[%get3A_414, %get3A_415] {strides = array<i32>} : memref<40x256xbf16, #tpu.memory_space<vmem>>, vector<32xbf16>,
        %get3A_417 = arith.index_cast %add3A_354 : i32 to index
        %get3A_418 = arith.constant 224 : index
        %get3A_419 = tpu.vector_load %arg10[%get3A_417, %get3A_418] {strides = array<i32>} : memref<40x256xbf16, #tpu.memory_space<vmem>>, vector<32xbf16>,
        %mul3A_420 = arith.mulf %div3A_389, %get3A_410 : vector<32xbf16>
        %mul3A_421 = arith.mulf %div3A_395, %get3A_413 : vector<32xbf16>
        %mul3A_422 = arith.mulf %div3A_401, %get3A_416 : vector<32xbf16>
        %mul3A_423 = arith.mulf %div3A_407, %get3A_419 : vector<32xbf16>
        %bitcast3A = vector.bitcast %mul3A_420 : vector<32xbf16> to vector<16xi32>
        %shift_left3A = arith.shli %bitcast3A, %broadcast_in_dim3A_16 : vector<16xi32>
        %bitcast3A_424 = vector.bitcast %shift_left3A : vector<16xi32> to vector<16xf32>
        %swap3A = arith.index_cast %add3A_354 : i32 to index
        %swap3A_425 = arith.constant 0 : index
        %swap3A_426 = tpu.vector_load %arg12[%swap3A, %swap3A_425] {strides = array<i32>} : memref<40x128xf32, #tpu.memory_space<vmem>>, vector<16xf32>,
        tpu.vector_store %arg12[%swap3A, %swap3A_425], %bitcast3A_424 {strides = array<i32>} : memref<40x128xf32, #tpu.memory_space<vmem>>, vector<16xf32>,
        %and3A = arith.andi %bitcast3A, %broadcast_in_dim3A_18 : vector<16xi32>
        %bitcast3A_427 = vector.bitcast %and3A : vector<16xi32> to vector<16xf32>
        %swap3A_428 = arith.index_cast %add3A_354 : i32 to index
        %swap3A_429 = arith.constant 16 : index
        %swap3A_430 = tpu.vector_load %arg12[%swap3A_428, %swap3A_429] {strides = array<i32>} : memref<40x128xf32, #tpu.memory_space<vmem>>, vector<16xf32>,
        tpu.vector_store %arg12[%swap3A_428, %swap3A_429], %bitcast3A_427 {strides = array<i32>} : memref<40x128xf32, #tpu.memory_space<vmem>>, vector<16xf32>,
        %bitcast3A_431 = vector.bitcast %mul3A_421 : vector<32xbf16> to vector<16xi32>
        %shift_left3A_432 = arith.shli %bitcast3A_431, %broadcast_in_dim3A_16 : vector<16xi32>
        %bitcast3A_433 = vector.bitcast %shift_left3A_432 : vector<16xi32> to vector<16xf32>
        %swap3A_434 = arith.index_cast %add3A_354 : i32 to index
        %swap3A_435 = arith.constant 32 : index
        %swap3A_436 = tpu.vector_load %arg12[%swap3A_434, %swap3A_435] {strides = array<i32>} : memref<40x128xf32, #tpu.memory_space<vmem>>, vector<16xf32>,
        tpu.vector_store %arg12[%swap3A_434, %swap3A_435], %bitcast3A_433 {strides = array<i32>} : memref<40x128xf32, #tpu.memory_space<vmem>>, vector<16xf32>,
        %and3A_437 = arith.andi %bitcast3A_431, %broadcast_in_dim3A_18 : vector<16xi32>
        %bitcast3A_438 = vector.bitcast %and3A_437 : vector<16xi32> to vector<16xf32>
        %swap3A_439 = arith.index_cast %add3A_354 : i32 to index
        %swap3A_440 = arith.constant 48 : index
        %swap3A_441 = tpu.vector_load %arg12[%swap3A_439, %swap3A_440] {strides = array<i32>} : memref<40x128xf32, #tpu.memory_space<vmem>>, vector<16xf32>,
        tpu.vector_store %arg12[%swap3A_439, %swap3A_440], %bitcast3A_438 {strides = array<i32>} : memref<40x128xf32, #tpu.memory_space<vmem>>, vector<16xf32>,
        %bitcast3A_442 = vector.bitcast %mul3A_422 : vector<32xbf16> to vector<16xi32>
        %shift_left3A_443 = arith.shli %bitcast3A_442, %broadcast_in_dim3A_16 : vector<16xi32>
        %bitcast3A_444 = vector.bitcast %shift_left3A_443 : vector<16xi32> to vector<16xf32>
        %swap3A_445 = arith.index_cast %add3A_354 : i32 to index
        %swap3A_446 = arith.constant 64 : index
        %swap3A_447 = tpu.vector_load %arg12[%swap3A_445, %swap3A_446] {strides = array<i32>} : memref<40x128xf32, #tpu.memory_space<vmem>>, vector<16xf32>,
        tpu.vector_store %arg12[%swap3A_445, %swap3A_446], %bitcast3A_444 {strides = array<i32>} : memref<40x128xf32, #tpu.memory_space<vmem>>, vector<16xf32>,
        %and3A_448 = arith.andi %bitcast3A_442, %broadcast_in_dim3A_18 : vector<16xi32>
        %bitcast3A_449 = vector.bitcast %and3A_448 : vector<16xi32> to vector<16xf32>
        %swap3A_450 = arith.index_cast %add3A_354 : i32 to index
        %swap3A_451 = arith.constant 80 : index
        %swap3A_452 = tpu.vector_load %arg12[%swap3A_450, %swap3A_451] {strides = array<i32>} : memref<40x128xf32, #tpu.memory_space<vmem>>, vector<16xf32>,
        tpu.vector_store %arg12[%swap3A_450, %swap3A_451], %bitcast3A_449 {strides = array<i32>} : memref<40x128xf32, #tpu.memory_space<vmem>>, vector<16xf32>,
        %bitcast3A_453 = vector.bitcast %mul3A_423 : vector<32xbf16> to vector<16xi32>
        %shift_left3A_454 = arith.shli %bitcast3A_453, %broadcast_in_dim3A_16 : vector<16xi32>
        %bitcast3A_455 = vector.bitcast %shift_left3A_454 : vector<16xi32> to vector<16xf32>
        %swap3A_456 = arith.index_cast %add3A_354 : i32 to index
        %swap3A_457 = arith.constant 96 : index
        %swap3A_458 = tpu.vector_load %arg12[%swap3A_456, %swap3A_457] {strides = array<i32>} : memref<40x128xf32, #tpu.memory_space<vmem>>, vector<16xf32>,
        tpu.vector_store %arg12[%swap3A_456, %swap3A_457], %bitcast3A_455 {strides = array<i32>} : memref<40x128xf32, #tpu.memory_space<vmem>>, vector<16xf32>,
        %and3A_459 = arith.andi %bitcast3A_453, %broadcast_in_dim3A_18 : vector<16xi32>
        %bitcast3A_460 = vector.bitcast %and3A_459 : vector<16xi32> to vector<16xf32>
        %swap3A_461 = arith.index_cast %add3A_354 : i32 to index
        %swap3A_462 = arith.constant 112 : index
        %swap3A_463 = tpu.vector_load %arg12[%swap3A_461, %swap3A_462] {strides = array<i32>} : memref<40x128xf32, #tpu.memory_space<vmem>>, vector<16xf32>,
        tpu.vector_store %arg12[%swap3A_461, %swap3A_462], %bitcast3A_460 {strides = array<i32>} : memref<40x128xf32, #tpu.memory_space<vmem>>, vector<16xf32>,
      }
      %scan3A_342 = arith.constant 40 : i32
      %dma_start3A_343 = arith.constant 1 : i32
      %dma_start3A_344 = arith.constant 0 : i32
      %dma_start3A_345 = tpu.memref_slice %arg6[%dma_start3A_343, %add3A_300, %dma_start3A_344] : memref<2x250x40xi32, #tpu.memory_space<vmem>> -> memref<1x1x40xi32, #tpu.memory_space<vmem>>
      %dma_start3A_346 = tpu.memref_squeeze %dma_start3A_345 : memref<1x1x40xi32, #tpu.memory_space<vmem>> -> memref<40xi32, #tpu.memory_space<vmem>>
      %dma_start3A_347 = arith.constant 0 : i32
      %dma_start3A_348 = arith.constant 0 : i32
      %dma_start3A_349 = tpu.memref_slice %arg13[%dma_start3A_347, %dma_start3A_348] : memref<10000x128xf32, #tpu.memory_space<vmem_shared>> -> memref<10000x128xf32, #tpu.memory_space<vmem_shared>>
      tpu.enqueue_indirect_dma source(%arg12 : memref<40x128xf32, #tpu.memory_space<vmem>>) target(%dma_start3A_349 : memref<10000x128xf32, #tpu.memory_space<vmem_shared>>) offsets(%dma_start3A_346 : memref<40xi32, #tpu.memory_space<vmem>>) semaphore(%arg19 : memref<!tpu.dma_semaphore, #tpu.memory_space<semaphore_mem>>) {add = true}
    }
    %scan3A_127 = arith.constant 123 : i32
    %dma_start3A_128 = arith.constant 1 : i32
    %dma_start3A_129 = arith.constant 249 : i32
    %dma_start3A_130 = arith.constant 0 : i32
    %dma_start3A_131 = tpu.memref_slice %arg6[%dma_start3A_128, %dma_start3A_129, %dma_start3A_130] : memref<2x250x40xi32, #tpu.memory_space<vmem>> -> memref<1x1x40xi32, #tpu.memory_space<vmem>>
    %dma_start3A_132 = tpu.memref_squeeze %dma_start3A_131 : memref<1x1x40xi32, #tpu.memory_space<vmem>> -> memref<40xi32, #tpu.memory_space<vmem>>
    %dma_start3A_133 = arith.constant 0 : i32
    %dma_start3A_134 = arith.constant 0 : i32
    %dma_start3A_135 = tpu.memref_slice %arg3[%dma_start3A_133, %dma_start3A_134] : memref<10000x128xbf16, #tpu.memory_space<hbm>> -> memref<10000x128xbf16, #tpu.memory_space<hbm>>
    tpu.enqueue_indirect_dma source(%dma_start3A_135 : memref<10000x128xbf16, #tpu.memory_space<hbm>>) target(%arg8 : memref<40x128xbf16, #tpu.memory_space<vmem>>) offsets(%dma_start3A_132 : memref<40xi32, #tpu.memory_space<vmem>>) semaphore(%arg15 : memref<!tpu.dma_semaphore, #tpu.memory_space<semaphore_mem>>)
    %dma_start3A_136 = arith.constant 0 : i32
    %dma_start3A_137 = arith.constant 249 : i32
    %dma_start3A_138 = arith.constant 0 : i32
    %dma_start3A_139 = tpu.memref_slice %arg6[%dma_start3A_136, %dma_start3A_137, %dma_start3A_138] : memref<2x250x40xi32, #tpu.memory_space<vmem>> -> memref<1x1x40xi32, #tpu.memory_space<vmem>>
    %dma_start3A_140 = tpu.memref_squeeze %dma_start3A_139 : memref<1x1x40xi32, #tpu.memory_space<vmem>> -> memref<40xi32, #tpu.memory_space<vmem>>
    %dma_start3A_141 = arith.constant 0 : i32
    %dma_start3A_142 = arith.constant 0 : i32
    %dma_start3A_143 = tpu.memref_slice %arg4[%dma_start3A_141, %dma_start3A_142] : memref<10000x256xbf16, #tpu.memory_space<hbm>> -> memref<10000x256xbf16, #tpu.memory_space<hbm>>
    tpu.enqueue_indirect_dma source(%dma_start3A_143 : memref<10000x256xbf16, #tpu.memory_space<hbm>>) target(%arg10 : memref<40x256xbf16, #tpu.memory_space<vmem>>) offsets(%dma_start3A_140 : memref<40xi32, #tpu.memory_space<vmem>>) semaphore(%arg17 : memref<!tpu.dma_semaphore, #tpu.memory_space<semaphore_mem>>)
    %dma_wait3A_144 = arith.constant 1 : i32
    %dma_wait3A_145 = arith.constant 248 : i32
    %dma_wait3A_146 = arith.constant 0 : i32
    %dma_wait3A_147 = tpu.memref_slice %arg6[%dma_wait3A_144, %dma_wait3A_145, %dma_wait3A_146] : memref<2x250x40xi32, #tpu.memory_space<vmem>> -> memref<1x1x40xi32, #tpu.memory_space<vmem>>
    %dma_wait3A_148 = tpu.memref_squeeze %dma_wait3A_147 : memref<1x1x40xi32, #tpu.memory_space<vmem>> -> memref<40xi32, #tpu.memory_space<vmem>>
    %dma_wait3A_149 = arith.constant 0 : i32
    %dma_wait3A_150 = arith.constant 0 : i32
    %dma_wait3A_151 = tpu.memref_slice %arg3[%dma_wait3A_149, %dma_wait3A_150] : memref<10000x128xbf16, #tpu.memory_space<hbm>> -> memref<10000x128xbf16, #tpu.memory_space<hbm>>
    tpu.wait_indirect_dma semaphore(%arg14 : memref<!tpu.dma_semaphore, #tpu.memory_space<semaphore_mem>>) src(%dma_wait3A_151 : memref<10000x128xbf16, #tpu.memory_space<hbm>>) dst(%arg7 : memref<40x128xbf16, #tpu.memory_space<vmem>>)
    %dma_wait3A_152 = arith.constant 0 : i32
    %dma_wait3A_153 = arith.constant 248 : i32
    %dma_wait3A_154 = arith.constant 0 : i32
    %dma_wait3A_155 = tpu.memref_slice %arg6[%dma_wait3A_152, %dma_wait3A_153, %dma_wait3A_154] : memref<2x250x40xi32, #tpu.memory_space<vmem>> -> memref<1x1x40xi32, #tpu.memory_space<vmem>>
    %dma_wait3A_156 = tpu.memref_squeeze %dma_wait3A_155 : memref<1x1x40xi32, #tpu.memory_space<vmem>> -> memref<40xi32, #tpu.memory_space<vmem>>
    %dma_wait3A_157 = arith.constant 0 : i32
    %dma_wait3A_158 = arith.constant 0 : i32
    %dma_wait3A_159 = tpu.memref_slice %arg4[%dma_wait3A_157, %dma_wait3A_158] : memref<10000x256xbf16, #tpu.memory_space<hbm>> -> memref<10000x256xbf16, #tpu.memory_space<hbm>>
    tpu.wait_indirect_dma semaphore(%arg16 : memref<!tpu.dma_semaphore, #tpu.memory_space<semaphore_mem>>) src(%dma_wait3A_159 : memref<10000x256xbf16, #tpu.memory_space<hbm>>) dst(%arg9 : memref<40x256xbf16, #tpu.memory_space<vmem>>)
    %dma_wait3A_160 = arith.constant 1 : i32
    %dma_wait3A_161 = arith.constant 248 : i32
    %dma_wait3A_162 = arith.constant 0 : i32
    %dma_wait3A_163 = tpu.memref_slice %arg6[%dma_wait3A_160, %dma_wait3A_161, %dma_wait3A_162] : memref<2x250x40xi32, #tpu.memory_space<vmem>> -> memref<1x1x40xi32, #tpu.memory_space<vmem>>
    %dma_wait3A_164 = tpu.memref_squeeze %dma_wait3A_163 : memref<1x1x40xi32, #tpu.memory_space<vmem>> -> memref<40xi32, #tpu.memory_space<vmem>>
    %dma_wait3A_165 = arith.constant 0 : i32
    %dma_wait3A_166 = arith.constant 0 : i32
    %dma_wait3A_167 = tpu.memref_slice %arg13[%dma_wait3A_165, %dma_wait3A_166] : memref<10000x128xf32, #tpu.memory_space<vmem_shared>> -> memref<10000x128xf32, #tpu.memory_space<vmem_shared>>
    tpu.wait_indirect_dma semaphore(%arg18 : memref<!tpu.dma_semaphore, #tpu.memory_space<semaphore_mem>>) src(%arg11 : memref<40x128xf32, #tpu.memory_space<vmem>>) dst(%dma_wait3A_167 : memref<10000x128xf32, #tpu.memory_space<vmem_shared>>)
    %scan3A_168 = arith.constant 0 : i32
    %scan3A_169 = arith.constant 40 : i32
    %scan3A_170 = arith.addi %scan3A_168, %scan3A_169 : i32
    %scan3A_171 = arith.constant 1 : i32
    scf.for %scan3A_239 = %scan3A_168 to %scan3A_170 step %scan3A_171  : i32 {
      %mul3A_240 = arith.constant 1 : i32
      %mul3A_241 = arith.muli %scan3A_239, %mul3A_240 : i32
      %add3A_242 = arith.constant 0 : i32
      %add3A_243 = arith.addi %add3A_242, %mul3A_241 : i32
      %get3A = arith.index_cast %add3A_243 : i32 to index
      %get3A_244 = arith.constant 0 : index
      %get3A_245 = tpu.vector_load %arg7[%get3A, %get3A_244] {strides = array<i32>} : memref<40x128xbf16, #tpu.memory_space<vmem>>, vector<32xbf16>,
      %get3A_246 = arith.index_cast %add3A_243 : i32 to index
      %get3A_247 = arith.constant 32 : index
      %get3A_248 = tpu.vector_load %arg7[%get3A_246, %get3A_247] {strides = array<i32>} : memref<40x128xbf16, #tpu.memory_space<vmem>>, vector<32xbf16>,
      %get3A_249 = arith.index_cast %add3A_243 : i32 to index
      %get3A_250 = arith.constant 64 : index
      %get3A_251 = tpu.vector_load %arg7[%get3A_249, %get3A_250] {strides = array<i32>} : memref<40x128xbf16, #tpu.memory_space<vmem>>, vector<32xbf16>,
      %get3A_252 = arith.index_cast %add3A_243 : i32 to index
      %get3A_253 = arith.constant 96 : index
      %get3A_254 = tpu.vector_load %arg7[%get3A_252, %get3A_253] {strides = array<i32>} : memref<40x128xbf16, #tpu.memory_space<vmem>>, vector<32xbf16>,
      %get3A_255 = arith.index_cast %add3A_243 : i32 to index
      %get3A_256 = arith.constant 0 : index
      %get3A_257 = tpu.vector_load %arg9[%get3A_255, %get3A_256] {strides = array<i32>} : memref<40x256xbf16, #tpu.memory_space<vmem>>, vector<32xbf16>,
      %get3A_258 = arith.index_cast %add3A_243 : i32 to index
      %get3A_259 = arith.constant 32 : index
      %get3A_260 = tpu.vector_load %arg9[%get3A_258, %get3A_259] {strides = array<i32>} : memref<40x256xbf16, #tpu.memory_space<vmem>>, vector<32xbf16>,
      %get3A_261 = arith.index_cast %add3A_243 : i32 to index
      %get3A_262 = arith.constant 64 : index
      %get3A_263 = tpu.vector_load %arg9[%get3A_261, %get3A_262] {strides = array<i32>} : memref<40x256xbf16, #tpu.memory_space<vmem>>, vector<32xbf16>,
      %get3A_264 = arith.index_cast %add3A_243 : i32 to index
      %get3A_265 = arith.constant 96 : index
      %get3A_266 = tpu.vector_load %arg9[%get3A_264, %get3A_265] {strides = array<i32>} : memref<40x256xbf16, #tpu.memory_space<vmem>>, vector<32xbf16>,
      %add3A_267 = arith.addf %get3A_245, %get3A_257 : vector<32xbf16>
      %exp3A = math.exp %add3A_267 : vector<32xbf16>
      %add3A_268 = arith.addf %get3A_248, %get3A_260 : vector<32xbf16>
      %exp3A_269 = math.exp %add3A_268 : vector<32xbf16>
      %add3A_270 = arith.addf %get3A_251, %get3A_263 : vector<32xbf16>
      %exp3A_271 = math.exp %add3A_270 : vector<32xbf16>
      %add3A_272 = arith.addf %get3A_254, %get3A_266 : vector<32xbf16>
      %exp3A_273 = math.exp %add3A_272 : vector<32xbf16>
      %add3A_274 = arith.constant 1.000000e+00 : bf16
      %add3A_275 = vector.broadcast %add3A_274 : bf16 to vector<32xbf16>
      %add3A_276 = arith.addf %add3A_275, %exp3A : vector<32xbf16>
      %div3A = arith.constant 1.000000e+00 : bf16
      %div3A_277 = vector.broadcast %div3A : bf16 to vector<32xbf16>
      %div3A_278 = arith.divf %div3A_277, %add3A_276 : vector<32xbf16>
      %add3A_279 = arith.constant 1.000000e+00 : bf16
      %add3A_280 = vector.broadcast %add3A_279 : bf16 to vector<32xbf16>
      %add3A_281 = arith.addf %add3A_280, %exp3A_269 : vector<32xbf16>
      %div3A_282 = arith.constant 1.000000e+00 : bf16
      %div3A_283 = vector.broadcast %div3A_282 : bf16 to vector<32xbf16>
      %div3A_284 = arith.divf %div3A_283, %add3A_281 : vector<32xbf16>
      %add3A_285 = arith.constant 1.000000e+00 : bf16
      %add3A_286 = vector.broadcast %add3A_285 : bf16 to vector<32xbf16>
      %add3A_287 = arith.addf %add3A_286, %exp3A_271 : vector<32xbf16>
      %div3A_288 = arith.constant 1.000000e+00 : bf16
      %div3A_289 = vector.broadcast %div3A_288 : bf16 to vector<32xbf16>
      %div3A_290 = arith.divf %div3A_289, %add3A_287 : vector<32xbf16>
      %add3A_291 = arith.constant 1.000000e+00 : bf16
      %add3A_292 = vector.broadcast %add3A_291 : bf16 to vector<32xbf16>
      %add3A_293 = arith.addf %add3A_292, %exp3A_273 : vector<32xbf16>
      %div3A_294 = arith.constant 1.000000e+00 : bf16
      %div3A_295 = vector.broadcast %div3A_294 : bf16 to vector<32xbf16>
      %div3A_296 = arith.divf %div3A_295, %add3A_293 : vector<32xbf16>
      %get3A_297 = arith.index_cast %add3A_243 : i32 to index
      %get3A_298 = arith.constant 128 : index
      %get3A_299 = tpu.vector_load %arg9[%get3A_297, %get3A_298] {strides = array<i32>} : memref<40x256xbf16, #tpu.memory_space<vmem>>, vector<32xbf16>,
      %get3A_300 = arith.index_cast %add3A_243 : i32 to index
      %get3A_301 = arith.constant 160 : index
      %get3A_302 = tpu.vector_load %arg9[%get3A_300, %get3A_301] {strides = array<i32>} : memref<40x256xbf16, #tpu.memory_space<vmem>>, vector<32xbf16>,
      %get3A_303 = arith.index_cast %add3A_243 : i32 to index
      %get3A_304 = arith.constant 192 : index
      %get3A_305 = tpu.vector_load %arg9[%get3A_303, %get3A_304] {strides = array<i32>} : memref<40x256xbf16, #tpu.memory_space<vmem>>, vector<32xbf16>,
      %get3A_306 = arith.index_cast %add3A_243 : i32 to index
      %get3A_307 = arith.constant 224 : index
      %get3A_308 = tpu.vector_load %arg9[%get3A_306, %get3A_307] {strides = array<i32>} : memref<40x256xbf16, #tpu.memory_space<vmem>>, vector<32xbf16>,
      %mul3A_309 = arith.mulf %div3A_278, %get3A_299 : vector<32xbf16>
      %mul3A_310 = arith.mulf %div3A_284, %get3A_302 : vector<32xbf16>
      %mul3A_311 = arith.mulf %div3A_290, %get3A_305 : vector<32xbf16>
      %mul3A_312 = arith.mulf %div3A_296, %get3A_308 : vector<32xbf16>
      %bitcast3A = vector.bitcast %mul3A_309 : vector<32xbf16> to vector<16xi32>
      %shift_left3A = arith.shli %bitcast3A, %broadcast_in_dim3A_16 : vector<16xi32>
      %bitcast3A_313 = vector.bitcast %shift_left3A : vector<16xi32> to vector<16xf32>
      %swap3A = arith.index_cast %add3A_243 : i32 to index
      %swap3A_314 = arith.constant 0 : index
      %swap3A_315 = tpu.vector_load %arg11[%swap3A, %swap3A_314] {strides = array<i32>} : memref<40x128xf32, #tpu.memory_space<vmem>>, vector<16xf32>,
      tpu.vector_store %arg11[%swap3A, %swap3A_314], %bitcast3A_313 {strides = array<i32>} : memref<40x128xf32, #tpu.memory_space<vmem>>, vector<16xf32>,
      %and3A = arith.andi %bitcast3A, %broadcast_in_dim3A_18 : vector<16xi32>
      %bitcast3A_316 = vector.bitcast %and3A : vector<16xi32> to vector<16xf32>
      %swap3A_317 = arith.index_cast %add3A_243 : i32 to index
      %swap3A_318 = arith.constant 16 : index
      %swap3A_319 = tpu.vector_load %arg11[%swap3A_317, %swap3A_318] {strides = array<i32>} : memref<40x128xf32, #tpu.memory_space<vmem>>, vector<16xf32>,
      tpu.vector_store %arg11[%swap3A_317, %swap3A_318], %bitcast3A_316 {strides = array<i32>} : memref<40x128xf32, #tpu.memory_space<vmem>>, vector<16xf32>,
      %bitcast3A_320 = vector.bitcast %mul3A_310 : vector<32xbf16> to vector<16xi32>
      %shift_left3A_321 = arith.shli %bitcast3A_320, %broadcast_in_dim3A_16 : vector<16xi32>
      %bitcast3A_322 = vector.bitcast %shift_left3A_321 : vector<16xi32> to vector<16xf32>
      %swap3A_323 = arith.index_cast %add3A_243 : i32 to index
      %swap3A_324 = arith.constant 32 : index
      %swap3A_325 = tpu.vector_load %arg11[%swap3A_323, %swap3A_324] {strides = array<i32>} : memref<40x128xf32, #tpu.memory_space<vmem>>, vector<16xf32>,
      tpu.vector_store %arg11[%swap3A_323, %swap3A_324], %bitcast3A_322 {strides = array<i32>} : memref<40x128xf32, #tpu.memory_space<vmem>>, vector<16xf32>,
      %and3A_326 = arith.andi %bitcast3A_320, %broadcast_in_dim3A_18 : vector<16xi32>
      %bitcast3A_327 = vector.bitcast %and3A_326 : vector<16xi32> to vector<16xf32>
      %swap3A_328 = arith.index_cast %add3A_243 : i32 to index
      %swap3A_329 = arith.constant 48 : index
      %swap3A_330 = tpu.vector_load %arg11[%swap3A_328, %swap3A_329] {strides = array<i32>} : memref<40x128xf32, #tpu.memory_space<vmem>>, vector<16xf32>,
      tpu.vector_store %arg11[%swap3A_328, %swap3A_329], %bitcast3A_327 {strides = array<i32>} : memref<40x128xf32, #tpu.memory_space<vmem>>, vector<16xf32>,
      %bitcast3A_331 = vector.bitcast %mul3A_311 : vector<32xbf16> to vector<16xi32>
      %shift_left3A_332 = arith.shli %bitcast3A_331, %broadcast_in_dim3A_16 : vector<16xi32>
      %bitcast3A_333 = vector.bitcast %shift_left3A_332 : vector<16xi32> to vector<16xf32>
      %swap3A_334 = arith.index_cast %add3A_243 : i32 to index
      %swap3A_335 = arith.constant 64 : index
      %swap3A_336 = tpu.vector_load %arg11[%swap3A_334, %swap3A_335] {strides = array<i32>} : memref<40x128xf32, #tpu.memory_space<vmem>>, vector<16xf32>,
      tpu.vector_store %arg11[%swap3A_334, %swap3A_335], %bitcast3A_333 {strides = array<i32>} : memref<40x128xf32, #tpu.memory_space<vmem>>, vector<16xf32>,
      %and3A_337 = arith.andi %bitcast3A_331, %broadcast_in_dim3A_18 : vector<16xi32>
      %bitcast3A_338 = vector.bitcast %and3A_337 : vector<16xi32> to vector<16xf32>
      %swap3A_339 = arith.index_cast %add3A_243 : i32 to index
      %swap3A_340 = arith.constant 80 : index
      %swap3A_341 = tpu.vector_load %arg11[%swap3A_339, %swap3A_340] {strides = array<i32>} : memref<40x128xf32, #tpu.memory_space<vmem>>, vector<16xf32>,
      tpu.vector_store %arg11[%swap3A_339, %swap3A_340], %bitcast3A_338 {strides = array<i32>} : memref<40x128xf32, #tpu.memory_space<vmem>>, vector<16xf32>,
      %bitcast3A_342 = vector.bitcast %mul3A_312 : vector<32xbf16> to vector<16xi32>
      %shift_left3A_343 = arith.shli %bitcast3A_342, %broadcast_in_dim3A_16 : vector<16xi32>
      %bitcast3A_344 = vector.bitcast %shift_left3A_343 : vector<16xi32> to vector<16xf32>
      %swap3A_345 = arith.index_cast %add3A_243 : i32 to index
      %swap3A_346 = arith.constant 96 : index
      %swap3A_347 = tpu.vector_load %arg11[%swap3A_345, %swap3A_346] {strides = array<i32>} : memref<40x128xf32, #tpu.memory_space<vmem>>, vector<16xf32>,
      tpu.vector_store %arg11[%swap3A_345, %swap3A_346], %bitcast3A_344 {strides = array<i32>} : memref<40x128xf32, #tpu.memory_space<vmem>>, vector<16xf32>,
      %and3A_348 = arith.andi %bitcast3A_342, %broadcast_in_dim3A_18 : vector<16xi32>
      %bitcast3A_349 = vector.bitcast %and3A_348 : vector<16xi32> to vector<16xf32>
      %swap3A_350 = arith.index_cast %add3A_243 : i32 to index
      %swap3A_351 = arith.constant 112 : index
      %swap3A_352 = tpu.vector_load %arg11[%swap3A_350, %swap3A_351] {strides = array<i32>} : memref<40x128xf32, #tpu.memory_space<vmem>>, vector<16xf32>,
      tpu.vector_store %arg11[%swap3A_350, %swap3A_351], %bitcast3A_349 {strides = array<i32>} : memref<40x128xf32, #tpu.memory_space<vmem>>, vector<16xf32>,
    }
    %scan3A_172 = arith.constant 40 : i32
    %dma_start3A_173 = arith.constant 1 : i32
    %dma_start3A_174 = arith.constant 248 : i32
    %dma_start3A_175 = arith.constant 0 : i32
    %dma_start3A_176 = tpu.memref_slice %arg6[%dma_start3A_173, %dma_start3A_174, %dma_start3A_175] : memref<2x250x40xi32, #tpu.memory_space<vmem>> -> memref<1x1x40xi32, #tpu.memory_space<vmem>>
    %dma_start3A_177 = tpu.memref_squeeze %dma_start3A_176 : memref<1x1x40xi32, #tpu.memory_space<vmem>> -> memref<40xi32, #tpu.memory_space<vmem>>
    %dma_start3A_178 = arith.constant 0 : i32
    %dma_start3A_179 = arith.constant 0 : i32
    %dma_start3A_180 = tpu.memref_slice %arg13[%dma_start3A_178, %dma_start3A_179] : memref<10000x128xf32, #tpu.memory_space<vmem_shared>> -> memref<10000x128xf32, #tpu.memory_space<vmem_shared>>
    tpu.enqueue_indirect_dma source(%arg11 : memref<40x128xf32, #tpu.memory_space<vmem>>) target(%dma_start3A_180 : memref<10000x128xf32, #tpu.memory_space<vmem_shared>>) offsets(%dma_start3A_177 : memref<40xi32, #tpu.memory_space<vmem>>) semaphore(%arg18 : memref<!tpu.dma_semaphore, #tpu.memory_space<semaphore_mem>>) {add = true}
    %dma_wait3A_181 = arith.constant 1 : i32
    %dma_wait3A_182 = arith.constant 249 : i32
    %dma_wait3A_183 = arith.constant 0 : i32
    %dma_wait3A_184 = tpu.memref_slice %arg6[%dma_wait3A_181, %dma_wait3A_182, %dma_wait3A_183] : memref<2x250x40xi32, #tpu.memory_space<vmem>> -> memref<1x1x40xi32, #tpu.memory_space<vmem>>
    %dma_wait3A_185 = tpu.memref_squeeze %dma_wait3A_184 : memref<1x1x40xi32, #tpu.memory_space<vmem>> -> memref<40xi32, #tpu.memory_space<vmem>>
    %dma_wait3A_186 = arith.constant 0 : i32
    %dma_wait3A_187 = arith.constant 0 : i32
    %dma_wait3A_188 = tpu.memref_slice %arg3[%dma_wait3A_186, %dma_wait3A_187] : memref<10000x128xbf16, #tpu.memory_space<hbm>> -> memref<10000x128xbf16, #tpu.memory_space<hbm>>
    tpu.wait_indirect_dma semaphore(%arg15 : memref<!tpu.dma_semaphore, #tpu.memory_space<semaphore_mem>>) src(%dma_wait3A_188 : memref<10000x128xbf16, #tpu.memory_space<hbm>>) dst(%arg8 : memref<40x128xbf16, #tpu.memory_space<vmem>>)
    %dma_wait3A_189 = arith.constant 0 : i32
    %dma_wait3A_190 = arith.constant 249 : i32
    %dma_wait3A_191 = arith.constant 0 : i32
    %dma_wait3A_192 = tpu.memref_slice %arg6[%dma_wait3A_189, %dma_wait3A_190, %dma_wait3A_191] : memref<2x250x40xi32, #tpu.memory_space<vmem>> -> memref<1x1x40xi32, #tpu.memory_space<vmem>>
    %dma_wait3A_193 = tpu.memref_squeeze %dma_wait3A_192 : memref<1x1x40xi32, #tpu.memory_space<vmem>> -> memref<40xi32, #tpu.memory_space<vmem>>
    %dma_wait3A_194 = arith.constant 0 : i32
    %dma_wait3A_195 = arith.constant 0 : i32
    %dma_wait3A_196 = tpu.memref_slice %arg4[%dma_wait3A_194, %dma_wait3A_195] : memref<10000x256xbf16, #tpu.memory_space<hbm>> -> memref<10000x256xbf16, #tpu.memory_space<hbm>>
    tpu.wait_indirect_dma semaphore(%arg17 : memref<!tpu.dma_semaphore, #tpu.memory_space<semaphore_mem>>) src(%dma_wait3A_196 : memref<10000x256xbf16, #tpu.memory_space<hbm>>) dst(%arg10 : memref<40x256xbf16, #tpu.memory_space<vmem>>)
    %dma_wait3A_197 = arith.constant 1 : i32
    %dma_wait3A_198 = arith.constant 249 : i32
    %dma_wait3A_199 = arith.constant 0 : i32
    %dma_wait3A_200 = tpu.memref_slice %arg6[%dma_wait3A_197, %dma_wait3A_198, %dma_wait3A_199] : memref<2x250x40xi32, #tpu.memory_space<vmem>> -> memref<1x1x40xi32, #tpu.memory_space<vmem>>
    %dma_wait3A_201 = tpu.memref_squeeze %dma_wait3A_200 : memref<1x1x40xi32, #tpu.memory_space<vmem>> -> memref<40xi32, #tpu.memory_space<vmem>>
    %dma_wait3A_202 = arith.constant 0 : i32
    %dma_wait3A_203 = arith.constant 0 : i32
    %dma_wait3A_204 = tpu.memref_slice %arg13[%dma_wait3A_202, %dma_wait3A_203] : memref<10000x128xf32, #tpu.memory_space<vmem_shared>> -> memref<10000x128xf32, #tpu.memory_space<vmem_shared>>
    tpu.wait_indirect_dma semaphore(%arg19 : memref<!tpu.dma_semaphore, #tpu.memory_space<semaphore_mem>>) src(%arg12 : memref<40x128xf32, #tpu.memory_space<vmem>>) dst(%dma_wait3A_204 : memref<10000x128xf32, #tpu.memory_space<vmem_shared>>)
    %scan3A_205 = arith.constant 0 : i32
    %scan3A_206 = arith.constant 40 : i32
    %scan3A_207 = arith.addi %scan3A_205, %scan3A_206 : i32
    %scan3A_208 = arith.constant 1 : i32
    scf.for %scan3A_239 = %scan3A_205 to %scan3A_207 step %scan3A_208  : i32 {
      %mul3A_240 = arith.constant 1 : i32
      %mul3A_241 = arith.muli %scan3A_239, %mul3A_240 : i32
      %add3A_242 = arith.constant 0 : i32
      %add3A_243 = arith.addi %add3A_242, %mul3A_241 : i32
      %get3A = arith.index_cast %add3A_243 : i32 to index
      %get3A_244 = arith.constant 0 : index
      %get3A_245 = tpu.vector_load %arg8[%get3A, %get3A_244] {strides = array<i32>} : memref<40x128xbf16, #tpu.memory_space<vmem>>, vector<32xbf16>,
      %get3A_246 = arith.index_cast %add3A_243 : i32 to index
      %get3A_247 = arith.constant 32 : index
      %get3A_248 = tpu.vector_load %arg8[%get3A_246, %get3A_247] {strides = array<i32>} : memref<40x128xbf16, #tpu.memory_space<vmem>>, vector<32xbf16>,
      %get3A_249 = arith.index_cast %add3A_243 : i32 to index
      %get3A_250 = arith.constant 64 : index
      %get3A_251 = tpu.vector_load %arg8[%get3A_249, %get3A_250] {strides = array<i32>} : memref<40x128xbf16, #tpu.memory_space<vmem>>, vector<32xbf16>,
      %get3A_252 = arith.index_cast %add3A_243 : i32 to index
      %get3A_253 = arith.constant 96 : index
      %get3A_254 = tpu.vector_load %arg8[%get3A_252, %get3A_253] {strides = array<i32>} : memref<40x128xbf16, #tpu.memory_space<vmem>>, vector<32xbf16>,
      %get3A_255 = arith.index_cast %add3A_243 : i32 to index
      %get3A_256 = arith.constant 0 : index
      %get3A_257 = tpu.vector_load %arg10[%get3A_255, %get3A_256] {strides = array<i32>} : memref<40x256xbf16, #tpu.memory_space<vmem>>, vector<32xbf16>,
      %get3A_258 = arith.index_cast %add3A_243 : i32 to index
      %get3A_259 = arith.constant 32 : index
      %get3A_260 = tpu.vector_load %arg10[%get3A_258, %get3A_259] {strides = array<i32>} : memref<40x256xbf16, #tpu.memory_space<vmem>>, vector<32xbf16>,
      %get3A_261 = arith.index_cast %add3A_243 : i32 to index
      %get3A_262 = arith.constant 64 : index
      %get3A_263 = tpu.vector_load %arg10[%get3A_261, %get3A_262] {strides = array<i32>} : memref<40x256xbf16, #tpu.memory_space<vmem>>, vector<32xbf16>,
      %get3A_264 = arith.index_cast %add3A_243 : i32 to index
      %get3A_265 = arith.constant 96 : index
      %get3A_266 = tpu.vector_load %arg10[%get3A_264, %get3A_265] {strides = array<i32>} : memref<40x256xbf16, #tpu.memory_space<vmem>>, vector<32xbf16>,
      %add3A_267 = arith.addf %get3A_245, %get3A_257 : vector<32xbf16>
      %exp3A = math.exp %add3A_267 : vector<32xbf16>
      %add3A_268 = arith.addf %get3A_248, %get3A_260 : vector<32xbf16>
      %exp3A_269 = math.exp %add3A_268 : vector<32xbf16>
      %add3A_270 = arith.addf %get3A_251, %get3A_263 : vector<32xbf16>
      %exp3A_271 = math.exp %add3A_270 : vector<32xbf16>
      %add3A_272 = arith.addf %get3A_254, %get3A_266 : vector<32xbf16>
      %exp3A_273 = math.exp %add3A_272 : vector<32xbf16>
      %add3A_274 = arith.constant 1.000000e+00 : bf16
      %add3A_275 = vector.broadcast %add3A_274 : bf16 to vector<32xbf16>
      %add3A_276 = arith.addf %add3A_275, %exp3A : vector<32xbf16>
      %div3A = arith.constant 1.000000e+00 : bf16
      %div3A_277 = vector.broadcast %div3A : bf16 to vector<32xbf16>
      %div3A_278 = arith.divf %div3A_277, %add3A_276 : vector<32xbf16>
      %add3A_279 = arith.constant 1.000000e+00 : bf16
      %add3A_280 = vector.broadcast %add3A_279 : bf16 to vector<32xbf16>
      %add3A_281 = arith.addf %add3A_280, %exp3A_269 : vector<32xbf16>
      %div3A_282 = arith.constant 1.000000e+00 : bf16
      %div3A_283 = vector.broadcast %div3A_282 : bf16 to vector<32xbf16>
      %div3A_284 = arith.divf %div3A_283, %add3A_281 : vector<32xbf16>
      %add3A_285 = arith.constant 1.000000e+00 : bf16
      %add3A_286 = vector.broadcast %add3A_285 : bf16 to vector<32xbf16>
      %add3A_287 = arith.addf %add3A_286, %exp3A_271 : vector<32xbf16>
      %div3A_288 = arith.constant 1.000000e+00 : bf16
      %div3A_289 = vector.broadcast %div3A_288 : bf16 to vector<32xbf16>
      %div3A_290 = arith.divf %div3A_289, %add3A_287 : vector<32xbf16>
      %add3A_291 = arith.constant 1.000000e+00 : bf16
      %add3A_292 = vector.broadcast %add3A_291 : bf16 to vector<32xbf16>
      %add3A_293 = arith.addf %add3A_292, %exp3A_273 : vector<32xbf16>
      %div3A_294 = arith.constant 1.000000e+00 : bf16
      %div3A_295 = vector.broadcast %div3A_294 : bf16 to vector<32xbf16>
      %div3A_296 = arith.divf %div3A_295, %add3A_293 : vector<32xbf16>
      %get3A_297 = arith.index_cast %add3A_243 : i32 to index
      %get3A_298 = arith.constant 128 : index
      %get3A_299 = tpu.vector_load %arg10[%get3A_297, %get3A_298] {strides = array<i32>} : memref<40x256xbf16, #tpu.memory_space<vmem>>, vector<32xbf16>,
      %get3A_300 = arith.index_cast %add3A_243 : i32 to index
      %get3A_301 = arith.constant 160 : index
      %get3A_302 = tpu.vector_load %arg10[%get3A_300, %get3A_301] {strides = array<i32>} : memref<40x256xbf16, #tpu.memory_space<vmem>>, vector<32xbf16>,
      %get3A_303 = arith.index_cast %add3A_243 : i32 to index
      %get3A_304 = arith.constant 192 : index
      %get3A_305 = tpu.vector_load %arg10[%get3A_303, %get3A_304] {strides = array<i32>} : memref<40x256xbf16, #tpu.memory_space<vmem>>, vector<32xbf16>,
      %get3A_306 = arith.index_cast %add3A_243 : i32 to index
      %get3A_307 = arith.constant 224 : index
      %get3A_308 = tpu.vector_load %arg10[%get3A_306, %get3A_307] {strides = array<i32>} : memref<40x256xbf16, #tpu.memory_space<vmem>>, vector<32xbf16>,
      %mul3A_309 = arith.mulf %div3A_278, %get3A_299 : vector<32xbf16>
      %mul3A_310 = arith.mulf %div3A_284, %get3A_302 : vector<32xbf16>
      %mul3A_311 = arith.mulf %div3A_290, %get3A_305 : vector<32xbf16>
      %mul3A_312 = arith.mulf %div3A_296, %get3A_308 : vector<32xbf16>
      %bitcast3A = vector.bitcast %mul3A_309 : vector<32xbf16> to vector<16xi32>
      %shift_left3A = arith.shli %bitcast3A, %broadcast_in_dim3A_16 : vector<16xi32>
      %bitcast3A_313 = vector.bitcast %shift_left3A : vector<16xi32> to vector<16xf32>
      %swap3A = arith.index_cast %add3A_243 : i32 to index
      %swap3A_314 = arith.constant 0 : index
      %swap3A_315 = tpu.vector_load %arg12[%swap3A, %swap3A_314] {strides = array<i32>} : memref<40x128xf32, #tpu.memory_space<vmem>>, vector<16xf32>,
      tpu.vector_store %arg12[%swap3A, %swap3A_314], %bitcast3A_313 {strides = array<i32>} : memref<40x128xf32, #tpu.memory_space<vmem>>, vector<16xf32>,
      %and3A = arith.andi %bitcast3A, %broadcast_in_dim3A_18 : vector<16xi32>
      %bitcast3A_316 = vector.bitcast %and3A : vector<16xi32> to vector<16xf32>
      %swap3A_317 = arith.index_cast %add3A_243 : i32 to index
      %swap3A_318 = arith.constant 16 : index
      %swap3A_319 = tpu.vector_load %arg12[%swap3A_317, %swap3A_318] {strides = array<i32>} : memref<40x128xf32, #tpu.memory_space<vmem>>, vector<16xf32>,
      tpu.vector_store %arg12[%swap3A_317, %swap3A_318], %bitcast3A_316 {strides = array<i32>} : memref<40x128xf32, #tpu.memory_space<vmem>>, vector<16xf32>,
      %bitcast3A_320 = vector.bitcast %mul3A_310 : vector<32xbf16> to vector<16xi32>
      %shift_left3A_321 = arith.shli %bitcast3A_320, %broadcast_in_dim3A_16 : vector<16xi32>
      %bitcast3A_322 = vector.bitcast %shift_left3A_321 : vector<16xi32> to vector<16xf32>
      %swap3A_323 = arith.index_cast %add3A_243 : i32 to index
      %swap3A_324 = arith.constant 32 : index
      %swap3A_325 = tpu.vector_load %arg12[%swap3A_323, %swap3A_324] {strides = array<i32>} : memref<40x128xf32, #tpu.memory_space<vmem>>, vector<16xf32>,
      tpu.vector_store %arg12[%swap3A_323, %swap3A_324], %bitcast3A_322 {strides = array<i32>} : memref<40x128xf32, #tpu.memory_space<vmem>>, vector<16xf32>,
      %and3A_326 = arith.andi %bitcast3A_320, %broadcast_in_dim3A_18 : vector<16xi32>
      %bitcast3A_327 = vector.bitcast %and3A_326 : vector<16xi32> to vector<16xf32>
      %swap3A_328 = arith.index_cast %add3A_243 : i32 to index
      %swap3A_329 = arith.constant 48 : index
      %swap3A_330 = tpu.vector_load %arg12[%swap3A_328, %swap3A_329] {strides = array<i32>} : memref<40x128xf32, #tpu.memory_space<vmem>>, vector<16xf32>,
      tpu.vector_store %arg12[%swap3A_328, %swap3A_329], %bitcast3A_327 {strides = array<i32>} : memref<40x128xf32, #tpu.memory_space<vmem>>, vector<16xf32>,
      %bitcast3A_331 = vector.bitcast %mul3A_311 : vector<32xbf16> to vector<16xi32>
      %shift_left3A_332 = arith.shli %bitcast3A_331, %broadcast_in_dim3A_16 : vector<16xi32>
      %bitcast3A_333 = vector.bitcast %shift_left3A_332 : vector<16xi32> to vector<16xf32>
      %swap3A_334 = arith.index_cast %add3A_243 : i32 to index
      %swap3A_335 = arith.constant 64 : index
      %swap3A_336 = tpu.vector_load %arg12[%swap3A_334, %swap3A_335] {strides = array<i32>} : memref<40x128xf32, #tpu.memory_space<vmem>>, vector<16xf32>,
      tpu.vector_store %arg12[%swap3A_334, %swap3A_335], %bitcast3A_333 {strides = array<i32>} : memref<40x128xf32, #tpu.memory_space<vmem>>, vector<16xf32>,
      %and3A_337 = arith.andi %bitcast3A_331, %broadcast_in_dim3A_18 : vector<16xi32>
      %bitcast3A_338 = vector.bitcast %and3A_337 : vector<16xi32> to vector<16xf32>
      %swap3A_339 = arith.index_cast %add3A_243 : i32 to index
      %swap3A_340 = arith.constant 80 : index
      %swap3A_341 = tpu.vector_load %arg12[%swap3A_339, %swap3A_340] {strides = array<i32>} : memref<40x128xf32, #tpu.memory_space<vmem>>, vector<16xf32>,
      tpu.vector_store %arg12[%swap3A_339, %swap3A_340], %bitcast3A_338 {strides = array<i32>} : memref<40x128xf32, #tpu.memory_space<vmem>>, vector<16xf32>,
      %bitcast3A_342 = vector.bitcast %mul3A_312 : vector<32xbf16> to vector<16xi32>
      %shift_left3A_343 = arith.shli %bitcast3A_342, %broadcast_in_dim3A_16 : vector<16xi32>
      %bitcast3A_344 = vector.bitcast %shift_left3A_343 : vector<16xi32> to vector<16xf32>
      %swap3A_345 = arith.index_cast %add3A_243 : i32 to index
      %swap3A_346 = arith.constant 96 : index
      %swap3A_347 = tpu.vector_load %arg12[%swap3A_345, %swap3A_346] {strides = array<i32>} : memref<40x128xf32, #tpu.memory_space<vmem>>, vector<16xf32>,
      tpu.vector_store %arg12[%swap3A_345, %swap3A_346], %bitcast3A_344 {strides = array<i32>} : memref<40x128xf32, #tpu.memory_space<vmem>>, vector<16xf32>,
      %and3A_348 = arith.andi %bitcast3A_342, %broadcast_in_dim3A_18 : vector<16xi32>
      %bitcast3A_349 = vector.bitcast %and3A_348 : vector<16xi32> to vector<16xf32>
      %swap3A_350 = arith.index_cast %add3A_243 : i32 to index
      %swap3A_351 = arith.constant 112 : index
      %swap3A_352 = tpu.vector_load %arg12[%swap3A_350, %swap3A_351] {strides = array<i32>} : memref<40x128xf32, #tpu.memory_space<vmem>>, vector<16xf32>,
      tpu.vector_store %arg12[%swap3A_350, %swap3A_351], %bitcast3A_349 {strides = array<i32>} : memref<40x128xf32, #tpu.memory_space<vmem>>, vector<16xf32>,
    }
    %scan3A_209 = arith.constant 40 : i32
    %dma_start3A_210 = arith.constant 1 : i32
    %dma_start3A_211 = arith.constant 249 : i32
    %dma_start3A_212 = arith.constant 0 : i32
    %dma_start3A_213 = tpu.memref_slice %arg6[%dma_start3A_210, %dma_start3A_211, %dma_start3A_212] : memref<2x250x40xi32, #tpu.memory_space<vmem>> -> memref<1x1x40xi32, #tpu.memory_space<vmem>>
    %dma_start3A_214 = tpu.memref_squeeze %dma_start3A_213 : memref<1x1x40xi32, #tpu.memory_space<vmem>> -> memref<40xi32, #tpu.memory_space<vmem>>
    %dma_start3A_215 = arith.constant 0 : i32
    %dma_start3A_216 = arith.constant 0 : i32
    %dma_start3A_217 = tpu.memref_slice %arg13[%dma_start3A_215, %dma_start3A_216] : memref<10000x128xf32, #tpu.memory_space<vmem_shared>> -> memref<10000x128xf32, #tpu.memory_space<vmem_shared>>
    tpu.enqueue_indirect_dma source(%arg12 : memref<40x128xf32, #tpu.memory_space<vmem>>) target(%dma_start3A_217 : memref<10000x128xf32, #tpu.memory_space<vmem_shared>>) offsets(%dma_start3A_214 : memref<40xi32, #tpu.memory_space<vmem>>) semaphore(%arg19 : memref<!tpu.dma_semaphore, #tpu.memory_space<semaphore_mem>>) {add = true}
    %dma_wait3A_218 = arith.constant 1 : i32
    %dma_wait3A_219 = arith.constant 0 : i32
    %dma_wait3A_220 = arith.constant 0 : i32
    %dma_wait3A_221 = tpu.memref_slice %arg6[%dma_wait3A_218, %dma_wait3A_219, %dma_wait3A_220] : memref<2x250x40xi32, #tpu.memory_space<vmem>> -> memref<1x1x40xi32, #tpu.memory_space<vmem>>
    %dma_wait3A_222 = tpu.memref_squeeze %dma_wait3A_221 : memref<1x1x40xi32, #tpu.memory_space<vmem>> -> memref<40xi32, #tpu.memory_space<vmem>>
    %dma_wait3A_223 = arith.constant 0 : i32
    %dma_wait3A_224 = arith.constant 0 : i32
    %dma_wait3A_225 = tpu.memref_slice %arg13[%dma_wait3A_223, %dma_wait3A_224] : memref<10000x128xf32, #tpu.memory_space<vmem_shared>> -> memref<10000x128xf32, #tpu.memory_space<vmem_shared>>
    tpu.wait_indirect_dma semaphore(%arg18 : memref<!tpu.dma_semaphore, #tpu.memory_space<semaphore_mem>>) src(%arg11 : memref<40x128xf32, #tpu.memory_space<vmem>>) dst(%dma_wait3A_225 : memref<10000x128xf32, #tpu.memory_space<vmem_shared>>)
    %dma_wait3A_226 = arith.constant 1 : i32
    %dma_wait3A_227 = arith.constant 0 : i32
    %dma_wait3A_228 = arith.constant 0 : i32
    %dma_wait3A_229 = tpu.memref_slice %arg6[%dma_wait3A_226, %dma_wait3A_227, %dma_wait3A_228] : memref<2x250x40xi32, #tpu.memory_space<vmem>> -> memref<1x1x40xi32, #tpu.memory_space<vmem>>
    %dma_wait3A_230 = tpu.memref_squeeze %dma_wait3A_229 : memref<1x1x40xi32, #tpu.memory_space<vmem>> -> memref<40xi32, #tpu.memory_space<vmem>>
    %dma_wait3A_231 = arith.constant 0 : i32
    %dma_wait3A_232 = arith.constant 0 : i32
    %dma_wait3A_233 = tpu.memref_slice %arg13[%dma_wait3A_231, %dma_wait3A_232] : memref<10000x128xf32, #tpu.memory_space<vmem_shared>> -> memref<10000x128xf32, #tpu.memory_space<vmem_shared>>
    tpu.wait_indirect_dma semaphore(%arg19 : memref<!tpu.dma_semaphore, #tpu.memory_space<semaphore_mem>>) src(%arg12 : memref<40x128xf32, #tpu.memory_space<vmem>>) dst(%dma_wait3A_233 : memref<10000x128xf32, #tpu.memory_space<vmem_shared>>)
    %barrier3A_234 = arith.constant 0 : index
    tpu.barrier barrier_id(%barrier3A_234)
    %mul3A_235 = arith.constant 625 : i32
    %mul3A_236 = arith.muli %arg1, %mul3A_235 : i32
    %mul3A_237 = arith.constant 625 : i32
    %mul3A_238 = arith.muli %arg1, %mul3A_237 : i32
    "tpu.region"() ({
      %run_scoped3A = tpu.sem_alloc : memref<!tpu.dma_semaphore, #tpu.memory_space<semaphore_mem>>
      %dma_start3A_239 = arith.constant 0 : i32
      %dma_start3A_240 = tpu.memref_slice %arg5[%arg0, %mul3A_238, %dma_start3A_239] : memref<2x10000x128xf32, #tpu.memory_space<hbm>> -> memref<1x625x128xf32, #tpu.memory_space<hbm>>
      %dma_start3A_241 = tpu.memref_squeeze %dma_start3A_240 : memref<1x625x128xf32, #tpu.memory_space<hbm>> -> memref<625x128xf32, #tpu.memory_space<hbm>>
      %dma_start3A_242 = arith.constant 0 : i32
      %dma_start3A_243 = tpu.memref_slice %arg13[%mul3A_236, %dma_start3A_242] : memref<10000x128xf32, #tpu.memory_space<vmem_shared>> -> memref<625x128xf32, #tpu.memory_space<vmem_shared>>
      tpu.enqueue_dma source(%dma_start3A_243 : memref<625x128xf32, #tpu.memory_space<vmem_shared>>) target(%dma_start3A_241 : memref<625x128xf32, #tpu.memory_space<hbm>>) target_semaphore(%run_scoped3A : memref<!tpu.dma_semaphore, #tpu.memory_space<semaphore_mem>>)
      %dma_wait3A_244 = arith.constant 0 : i32
      %dma_wait3A_245 = tpu.memref_slice %arg5[%arg0, %mul3A_238, %dma_wait3A_244] : memref<2x10000x128xf32, #tpu.memory_space<hbm>> -> memref<1x625x128xf32, #tpu.memory_space<hbm>>
      %dma_wait3A_246 = tpu.memref_squeeze %dma_wait3A_245 : memref<1x625x128xf32, #tpu.memory_space<hbm>> -> memref<625x128xf32, #tpu.memory_space<hbm>>
      %dma_wait3A_247 = arith.constant 0 : i32
      %dma_wait3A_248 = tpu.memref_slice %arg13[%mul3A_236, %dma_wait3A_247] : memref<10000x128xf32, #tpu.memory_space<vmem_shared>> -> memref<625x128xf32, #tpu.memory_space<vmem_shared>>
      tpu.wait_dma2 semaphore(%run_scoped3A : memref<!tpu.dma_semaphore, #tpu.memory_space<semaphore_mem>>) src(%dma_wait3A_248 : memref<625x128xf32, #tpu.memory_space<vmem_shared>>) dst(%dma_wait3A_246 : memref<625x128xf32, #tpu.memory_space<hbm>>)
      tpu.yield
    }) : () -> ()
    return
  }
}

module attributes {stable_mosaic.version = 14 : i64} {
  func.func @_proj_body(%arg0: i32, %arg1: memref<2000x128xf32, #tpu.memory_space<vmem>>, %arg2: memref<128x384xf32, #tpu.memory_space<vmem>>, %arg3: memref<1x384xf32, #tpu.memory_space<vmem>>, %arg4: memref<2000x128xbf16, #tpu.memory_space<vmem>>, %arg5: memref<2000x256xbf16, #tpu.memory_space<vmem>>) attributes {dimension_semantics = [#tpu.dimension_semantics<arbitrary>], iteration_bounds = array<i64: 5>, scalar_prefetch = 0 : i64, scratch_operands = 0 : i64, tpu.core_type = #tpu.core_type<tc>, window_params = [{transform_indices = @transform_0, window_bounds = array<i64: 2000, 128>}, {pipeline_mode = #tpu.pipeline_mode<synchronous>, transform_indices = @transform_1, window_bounds = array<i64: 128, 384>}, {pipeline_mode = #tpu.pipeline_mode<synchronous>, transform_indices = @transform_2, window_bounds = array<i64: 1, 384>}, {transform_indices = @transform_3, window_bounds = array<i64: 2000, 128>}, {transform_indices = @transform_4, window_bounds = array<i64: 2000, 256>}]} {
    %get3A = arith.constant 0 : index
    %get3A_0 = arith.constant 0 : index
    %get3A_1 = vector.load %arg1[%get3A, %get3A_0] : memref<2000x128xf32, #tpu.memory_space<vmem>>, vector<2000x128xf32>
    %get3A_2 = arith.constant 0 : index
    %get3A_3 = arith.constant 0 : index
    %get3A_4 = vector.load %arg2[%get3A_2, %get3A_3] : memref<128x384xf32, #tpu.memory_space<vmem>>, vector<128x384xf32>
    %dot_general3A = arith.constant dense<0.000000e+00> : vector<2000x384xf32>
    %dot_general3A_5 = tpu.matmul %get3A_1, %get3A_4, %dot_general3A {dimension_numbers = #tpu.dot_dimension_numbers<[1], [0], [0], [1], [0, 0, 1, 1], [], []>, transpose_lhs_hint = false} : vector<2000x128xf32>, vector<128x384xf32>, vector<2000x384xf32> -> vector<2000x384xf32>
    %get3A_6 = arith.constant 0 : index
    %get3A_7 = arith.constant 0 : index
    %get3A_8 = vector.load %arg3[%get3A_6, %get3A_7] : memref<1x384xf32, #tpu.memory_space<vmem>>, vector<1x384xf32>
    %add3A = vector.broadcast %get3A_8 : vector<1x384xf32> to vector<2000x384xf32>
    %add3A_9 = arith.addf %dot_general3A_5, %add3A : vector<2000x384xf32>
    %convert_element_type3A = arith.truncf %add3A_9 : vector<2000x384xf32> to vector<2000x384xbf16>
    %slice3A = vector.extract_strided_slice %convert_element_type3A {offsets = [0, 0], sizes = [2000, 128], strides = [1, 1]} : vector<2000x384xbf16> to vector<2000x128xbf16>
    %swap3A = arith.constant 0 : index
    %swap3A_10 = arith.constant 0 : index
    %swap3A_11 = vector.load %arg4[%swap3A, %swap3A_10] : memref<2000x128xbf16, #tpu.memory_space<vmem>>, vector<2000x128xbf16>
    tpu.vector_store %arg4[%swap3A, %swap3A_10], %slice3A {strides = array<i32>} : memref<2000x128xbf16, #tpu.memory_space<vmem>>, vector<2000x128xbf16>,
    %slice3A_12 = vector.extract_strided_slice %convert_element_type3A {offsets = [0, 128], sizes = [2000, 256], strides = [1, 1]} : vector<2000x384xbf16> to vector<2000x256xbf16>
    %swap3A_13 = arith.constant 0 : index
    %swap3A_14 = arith.constant 0 : index
    %swap3A_15 = vector.load %arg5[%swap3A_13, %swap3A_14] : memref<2000x256xbf16, #tpu.memory_space<vmem>>, vector<2000x256xbf16>
    tpu.vector_store %arg5[%swap3A_13, %swap3A_14], %slice3A_12 {strides = array<i32>} : memref<2000x256xbf16, #tpu.memory_space<vmem>>, vector<2000x256xbf16>,
    return
  }
  func.func @transform_0(%arg0: i32) -> (i32, i32) {
    %c0_i32 = arith.constant 0 : i32
    %c0_i32_0 = arith.constant 0 : i32
    return %arg0, %c0_i32 : i32, i32
  }
  func.func @transform_1(%arg0: i32) -> (i32, i32) {
    %c0_i32 = arith.constant 0 : i32
    %c0_i32_0 = arith.constant 0 : i32
    %c0_i32_1 = arith.constant 0 : i32
    return %c0_i32, %c0_i32_0 : i32, i32
  }
  func.func @transform_2(%arg0: i32) -> (i32, i32) {
    %c0_i32 = arith.constant 0 : i32
    %c0_i32_0 = arith.constant 0 : i32
    %c0_i32_1 = arith.constant 0 : i32
    return %c0_i32, %c0_i32_0 : i32, i32
  }
  func.func @transform_3(%arg0: i32) -> (i32, i32) {
    %c0_i32 = arith.constant 0 : i32
    %c0_i32_0 = arith.constant 0 : i32
    return %arg0, %c0_i32 : i32, i32
  }
  func.func @transform_4(%arg0: i32) -> (i32, i32) {
    %c0_i32 = arith.constant 0 : i32
    %c0_i32_0 = arith.constant 0 : i32
    return %arg0, %c0_i32 : i32, i32
  }
}

module attributes {stable_mosaic.version = 14 : i64} {
  func.func @_epilogue_body(%arg0: i32, %arg1: memref<2x2000x128xf32, #tpu.memory_space<vmem>>, %arg2: memref<2000x128xf32, #tpu.memory_space<vmem>>, %arg3: memref<128x128xf32, #tpu.memory_space<vmem>>, %arg4: memref<1x128xf32, #tpu.memory_space<vmem>>, %arg5: memref<2000x128xf32, #tpu.memory_space<vmem>>) attributes {dimension_semantics = [#tpu.dimension_semantics<arbitrary>], iteration_bounds = array<i64: 5>, scalar_prefetch = 0 : i64, scratch_operands = 0 : i64, tpu.core_type = #tpu.core_type<tc>, window_params = [{transform_indices = @transform_0, window_bounds = array<i64: 2, 2000, 128>}, {transform_indices = @transform_1, window_bounds = array<i64: 2000, 128>}, {pipeline_mode = #tpu.pipeline_mode<synchronous>, transform_indices = @transform_2, window_bounds = array<i64: 128, 128>}, {pipeline_mode = #tpu.pipeline_mode<synchronous>, transform_indices = @transform_3, window_bounds = array<i64: 1, 128>}, {transform_indices = @transform_4, window_bounds = array<i64: 2000, 128>}]} {
    %get3A = arith.constant 0 : index
    %get3A_0 = arith.constant 0 : index
    %get3A_1 = vector.load %arg2[%get3A, %get3A_0] : memref<2000x128xf32, #tpu.memory_space<vmem>>, vector<2000x128xf32>
    %get3A_2 = arith.constant 0 : index
    %get3A_3 = arith.constant 0 : index
    %get3A_4 = vector.load %arg3[%get3A_2, %get3A_3] : memref<128x128xf32, #tpu.memory_space<vmem>>, vector<128x128xf32>
    %dot_general3A = arith.constant dense<0.000000e+00> : vector<2000x128xf32>
    %dot_general3A_5 = tpu.matmul %get3A_1, %get3A_4, %dot_general3A {dimension_numbers = #tpu.dot_dimension_numbers<[1], [0], [0], [1], [0, 0, 1, 1], [], []>, transpose_lhs_hint = false} : vector<2000x128xf32>, vector<128x128xf32>, vector<2000x128xf32> -> vector<2000x128xf32>
    %get3A_6 = arith.constant 0 : index
    %get3A_7 = arith.constant 0 : index
    %get3A_8 = arith.constant 0 : index
    %get3A_9 = vector.load %arg1[%get3A_6, %get3A_7, %get3A_8] : memref<2x2000x128xf32, #tpu.memory_space<vmem>>, vector<1x2000x128xf32>
    %get3A_10 = vector.shape_cast %get3A_9 : vector<1x2000x128xf32> to vector<2000x128xf32>
    %get3A_11 = arith.constant 1 : index
    %get3A_12 = arith.constant 0 : index
    %get3A_13 = arith.constant 0 : index
    %get3A_14 = vector.load %arg1[%get3A_11, %get3A_12, %get3A_13] : memref<2x2000x128xf32, #tpu.memory_space<vmem>>, vector<1x2000x128xf32>
    %get3A_15 = vector.shape_cast %get3A_14 : vector<1x2000x128xf32> to vector<2000x128xf32>
    %add3A = arith.addf %get3A_10, %get3A_15 : vector<2000x128xf32>
    %add3A_16 = arith.addf %add3A, %dot_general3A_5 : vector<2000x128xf32>
    %get3A_17 = arith.constant 0 : index
    %get3A_18 = arith.constant 0 : index
    %get3A_19 = vector.load %arg4[%get3A_17, %get3A_18] : memref<1x128xf32, #tpu.memory_space<vmem>>, vector<1x128xf32>
    %add3A_20 = vector.broadcast %get3A_19 : vector<1x128xf32> to vector<2000x128xf32>
    %add3A_21 = arith.addf %add3A_16, %add3A_20 : vector<2000x128xf32>
    %swap3A = arith.constant 0 : index
    %swap3A_22 = arith.constant 0 : index
    %swap3A_23 = vector.load %arg5[%swap3A, %swap3A_22] : memref<2000x128xf32, #tpu.memory_space<vmem>>, vector<2000x128xf32>
    tpu.vector_store %arg5[%swap3A, %swap3A_22], %add3A_21 {strides = array<i32>} : memref<2000x128xf32, #tpu.memory_space<vmem>>, vector<2000x128xf32>,
    return
  }
  func.func @transform_0(%arg0: i32) -> (i32, i32, i32) {
    %c0_i32 = arith.constant 0 : i32
    %c0_i32_0 = arith.constant 0 : i32
    %c0_i32_1 = arith.constant 0 : i32
    return %c0_i32, %arg0, %c0_i32_0 : i32, i32, i32
  }
  func.func @transform_1(%arg0: i32) -> (i32, i32) {
    %c0_i32 = arith.constant 0 : i32
    %c0_i32_0 = arith.constant 0 : i32
    return %arg0, %c0_i32 : i32, i32
  }
  func.func @transform_2(%arg0: i32) -> (i32, i32) {
    %c0_i32 = arith.constant 0 : i32
    %c0_i32_0 = arith.constant 0 : i32
    %c0_i32_1 = arith.constant 0 : i32
    return %c0_i32, %c0_i32_0 : i32, i32
  }
  func.func @transform_3(%arg0: i32) -> (i32, i32) {
    %c0_i32 = arith.constant 0 : i32
    %c0_i32_0 = arith.constant 0 : i32
    %c0_i32_1 = arith.constant 0 : i32
    return %c0_i32, %c0_i32_0 : i32, i32
  }
  func.func @transform_4(%arg0: i32) -> (i32, i32) {
    %c0_i32 = arith.constant 0 : i32
    %c0_i32_0 = arith.constant 0 : i32
    return %arg0, %c0_i32 : i32, i32
  }
}

</mosaic_0001>

<sc_bundles>
// kernel: kernel.5.cloned.1.call-start
scs
__scs_entry_jumppad:
0x0: {  	(pc) =	sbr.rel $0x88, $3  }
0x1: {  	(tag) =	ssettag $0x0;
	lr =	simm.s32 $0x1  }
0x2: {  	[smem:$0x3F97] =	sst lr;
	_ =	strace $0xD0000000  }
0x3: {  	_ = 	snop  }
0x4: {  	_ = 	snop  }
0x5: {  	_ = 	snop  }
0x6: {  	_ = 	snop  }
0x7: {  	_ = 	snop  }
__scs_overlays_trampoline_lowered:
0x8: {  	[smem:$0x3FA6] =	sst s0  }
0x9: {  	[smem:$0x3FA7] =	sst s1  }
0xa: {  	[smem:$0x3FA8] =	sst s2  }
0xb: {  	[smem:$0x3FA9] =	sst s3  }
0xc: {  	[smem:$0x3FAA] =	sst s4  }
0xd: {  	[smem:$0x3FAB] =	sst s5  }
0xe: {  	[smem:$0x3FAC] =	sst s6  }
0xf: {  	[smem:$0x3FAD] =	sst s7  }
0x10: {  	[smem:$0x3FAE] =	sst s8  }
0x11: {  	[smem:$0x3FAF] =	sst s9;
	s0 =	simm.s32 @!p0 $0x0  }
0x12: {  	s1 =	sld [smem:$0x3F95];
	s0 =	simm.s32 @p0 $0x1  }
0x13: {  	[smem:$0x3FB0] =	sst s0;
	s0 =	simm.s32 @!p1 $0x0  }
0x14: {  	s2 =	sld [smem:$0x3F94];
	s0 =	simm.s32 @p1 $0x1  }
0x15: {  	[smem:$0x3FB1] =	sst s0;
	s0 =	simm.s32 @!p2 $0x0  }
0x16: {  	s3 =	sld [smem:$0x3FDB];
	s0 =	simm.s32 @p2 $0x1  }
0x17: {  	s4 =	simm.s32 $0x1BF5;
	[smem:$0x3FB3] =	sst s0  }
0x18: {  	s0 =	sld [smem:$0x3F96];
	_ =	swait.ge [sflag:s4], $0x0  }
0x19: {  	s7 =	sld [smem:$0x3F97]  }
0x1a: {  	s8 =	sadd.s32 $0xFFFFE003, lr  }
0x1b: {  	s9 =	sadd.s32 $0xFFFFFEF7, lr;
	s5 =	simm.s32 $0xFFFFFFFF;
	p2 =	slt.u32 s8, $0xFFFFF086  }
0x1c: {  	p1 =	slt.u32 s9, $0xF7A;
	s5 =	simm.s32 @!p2 $0x0  }
0x1d: {  	s5 =	simm.s32 @p1 $0x1;
	p0 =	seq.s32 s7, s2  }
0x1e: {  	s7 =	smul.u32 @!p0 $0xF7A, s2;
	p2 =	seq.s32 @!p0 s5, $0x0  }
0x1f: {  	s9 =	smul.u32 $0xF7A, s1;
	s8 =	simm.s32 @!p0 $0x1BF5;
	p2 =	por !p2, p0  }
0x20: {  	[sflag:s8] =	ssyncset.s32 @!p0 $0xFFFFF086;
	s6 =	sadd.s32 @!p0 s3, s7;
	s7 =	simm.s32 @!p0 $0x108  }
0x21: {  	s3 =	sadd.s32 s3, s9;
	s6 =	sadd.s32 @!p0 $0x88, s6;
	s7 =	simm.s32 @p2 $0x1082  }
0x22: {  	[simem:s7], [sflag:s8] =	dma.local @!p0 [hbm:s6], $0xF7A  }
0x23: {  	s9 =	sor.u32 $0xD0000000, s2;
	s6 =	simm.s32 $0x108;
	_ =	swait.ge @!p0 [sflag:s8], $0x0  }
0x24: {  	s3 =	sadd.s32 $0x88, s3;
	s6 =	simm.s32 @!p1 $0x1082;
	[sflag:s4] =	ssyncset.s32 $0xFFFFF086  }
0x25: {  	[simem:s6], [sflag:s4] =	dma.local [hbm:s3], $0xF7A  }
0x26: {  	[smem:$0x3F97] =	sst s1;
	(tag) =	ssettag s2;
	_ =	strace s9  }
0x27: {  	s1 =	sld [smem:$0x3FA7]  }
0x28: {  	s2 =	sld [smem:$0x3FA8]  }
0x29: {  	s4 =	sld [smem:$0x3FAA]  }
0x2a: {  	p0 =	seq.s32 s5, $0x0;
	s5 =	sld [smem:$0x3FAB]  }
0x2b: {  	s6 =	sld [smem:$0x3FAC]  }
0x2c: {  	s7 =	sld [smem:$0x3FAD]  }
0x2d: {  	s3 =	simm.s32 $0x108;
	s8 =	sld [smem:$0x3FAE]  }
0x2e: {  	s3 =	simm.s32 @!p0 $0x1082;
	s9 =	sld [smem:$0x3FAF]  }
0x2f: {  	lr =	sadd.s32 s0, s3;
	s0 =	sld [smem:$0x3FA6]  }
0x30: {  	s3 =	sld [smem:$0x3FA9]  }
0x31: {  	[smem:$0x3FB2] =	sst s10  }
0x32: {  	s10 =	sld [smem:$0x3FB0];
	_ =	sdelay $0x3  }
0x33: {  	p0 =	seq.s32 s10, $0x1;
	s10 =	sld [smem:$0x3FB2];
	_ =	sdelay $0x3  }
0x34: {  	[smem:$0x3FB2] =	sst s10  }
0x35: {  	s10 =	sld [smem:$0x3FB1];
	_ =	sdelay $0x3  }
0x36: {  	p1 =	seq.s32 s10, $0x1;
	s10 =	sld [smem:$0x3FB2];
	_ =	sdelay $0x3  }
0x37: {  	[smem:$0x3FB2] =	sst s10  }
0x38: {  	s10 =	sld [smem:$0x3FB3]  }
0x39: {  	_ = 	snop;
	(pc) =	sbr.ind lr, $3  }
0x3a: {  	_ = 	snop  }
0x3b: {  	_ = 	snop  }
0x3c: {  	p2 =	seq.s32 s10, $0x1;
	s10 =	sld [smem:$0x3FB2]  }
0x3d: {  	_ =	shalt  }
0x3e: {  	_ =	shalt  }
0x3f: {  	_ =	shalt  }
0x40: {  	_ =	shalt  }
0x41: {  	_ =	shalt  }
0x42: {  	_ =	shalt  }
0x43: {  	_ =	shalt  }
0x44: {  	_ =	shalt  }
0x45: {  	_ =	shalt  }
0x46: {  	_ =	shalt  }
0x47: {  	_ =	shalt  }
0x48: {  	_ =	shalt  }
0x49: {  	_ =	shalt  }
0x4a: {  	_ =	shalt  }
0x4b: {  	_ =	shalt  }
0x4c: {  	_ =	shalt  }
0x4d: {  	_ =	shalt  }
0x4e: {  	_ =	shalt  }
0x4f: {  	_ =	shalt  }
0x50: {  	_ =	shalt  }
0x51: {  	_ =	shalt  }
0x52: {  	_ =	shalt  }
0x53: {  	_ =	shalt  }
0x54: {  	_ =	shalt  }
0x55: {  	_ =	shalt  }
0x56: {  	_ =	shalt  }
0x57: {  	_ =	shalt  }
0x58: {  	_ =	shalt  }
0x59: {  	_ =	shalt  }
0x5a: {  	_ =	shalt  }
0x5b: {  	_ =	shalt  }
0x5c: {  	_ =	shalt  }
0x5d: {  	_ =	shalt  }
0x5e: {  	_ =	shalt  }
0x5f: {  	_ =	shalt  }
0x60: {  	_ =	shalt  }
0x61: {  	_ =	shalt  }
0x62: {  	_ =	shalt  }
0x63: {  	_ =	shalt  }
0x64: {  	_ =	shalt  }
0x65: {  	_ =	shalt  }
0x66: {  	_ =	shalt  }
0x67: {  	_ =	shalt  }
0x68: {  	_ =	shalt  }
0x69: {  	_ =	shalt  }
0x6a: {  	_ =	shalt  }
0x6b: {  	_ =	shalt  }
0x6c: {  	_ =	shalt  }
0x6d: {  	_ =	shalt  }
0x6e: {  	_ =	shalt  }
0x6f: {  	_ =	shalt  }
0x70: {  	_ =	shalt  }
0x71: {  	_ =	shalt  }
0x72: {  	_ =	shalt  }
0x73: {  	_ =	shalt  }
0x74: {  	_ =	shalt  }
0x75: {  	_ =	shalt  }
0x76: {  	_ =	shalt  }
0x77: {  	_ =	shalt  }
0x78: {  	_ =	shalt  }
0x79: {  	_ =	shalt  }
0x7a: {  	_ =	shalt  }
0x7b: {  	_ =	shalt  }
0x7c: {  	_ =	shalt  }
0x7d: {  	_ =	shalt  }
0x7e: {  	_ =	shalt  }
0x7f: {  	_ =	shalt  }
0x80: {  	_ =	shalt  }
0x81: {  	_ =	shalt  }
0x82: {  	_ =	shalt  }
0x83: {  	_ =	shalt  }
0x84: {  	_ =	shalt  }
0x85: {  	_ =	shalt  }
0x86: {  	_ =	shalt  }
0x87: {  	_ =	shalt  }
.Lfunc_end0:
.L_simem_size_0:
called_computation_lowered:
.L_overlay_start_0:
0x88: {  	s2 =	sld [smem:$0x3FD9]  }
0x89: {  	s3 =	sld [smem:$0x3FFE];
	_ =	sdelay $0x1  }
0x8a: {  	s1 =	srdreg.scid  }
0x8b: {  	s0 =	sand.u32 $0x1, s1  }
0x8c: {  	s17 =	sshll.u32 s0, $0xA;
	s2 =	sadd.s32 s3, s2  }
0x8d: {  	s2 =	sadd.s32 s2, s17  }
0x8e: {  	[smem:$0x3FBE] =	sst s2  }
0x8f: {  	_ = 	snop  }
0x90: {  	s2 =	sld [smem:$0x3FD0];
	(tm) =	ssettm $0x1  }
0x91: {  	s18 =	sld [smem:$0x3FFB];
	_ =	sdelay $0x3  }
0x92: {  	_ =	strace s18  }
0x93: {  	s3 =	sld [smem:$0x3FFC];
	_ =	sdelay $0x3  }
0x94: {  	_ =	strace s3  }
0x95: {  	s3 =	sld [smem:$0x3FFD];
	_ =	sdelay $0x3  }
0x96: {  	_ =	strace s3  }
0x97: {  	_ =	strace $0x8FFFFFFF  }
0x98: {  	s19 =	sld [smem:$0x3FDB];
	_ =	sdelay $0x1  }
0x99: {  	s4 =	simm.s32 $_scs_section_size  }
0x9a: {  	s5 =	simm.s32 $_size__tile_overlayer_lowered;
	s6 =	simm.s32 $_tile_overlayer_lowered  }
0x9b: {  	s22 =	simm.s32 $0x1BFF;
	s21 =	sshll.u32 s6, $0x1;
	s3 =	sadd.s32 s4, s19  }
0x9c: {  	s7 =	simm.s32 $0x0;
	s20 =	sshll.u32 s5, $0x1;
	s5 =	sadd.s32 s21, s3  }
0x9d: {  	[timem:s7], [sflag:s22] =	dma.local [hbm:s5], s20  }
0x9e: {  	_ =	swait.ge [sflag:s22], s20  }
0x9f: {  	s4 =	ssub.s32 $0x0, s20;
	[sflag:s22] =	ssyncset.done $0x0  }
0xa0: {  	[sflag:s22] =	ssyncadd.s32 s4;
	_ =	sdelay $0x1  }
0xa1: {  	s23 =	simm.s32 $0x1B8B  }
0xa2: {  	_ =	swait.ge [sflag:s23], $0x1  }
0xa3: {  	[sflag:s23] =	ssyncset.done $0x0  }
0xa4: {  	s25 =	simm.s32 $0x1B8E;
	s24 =	sld [smem:$0x3FFE];
	[sflag:s23] =	ssyncadd.s32 $0xFFFFFFFF  }
0xa5: {  	s26 =	simm.s32 $execute0_lowered;
	[smem:$0x3FD2] =	sst s25  }
0xa6: {  	s5 =	sshll.u32 s26, $0x1;
	_ =	strace $0x80000046;
	[dreg:$0x1] =	wrdreg $0xFFFFFFFF  }
0xa7: {  	s28 =	simm.s32 $_size_execute0_lowered;
	s3 =	sadd.s32 s3, s5;
	[dreg:$0x0] =	wrdreg $0x0  }
0xa8: {  	s5 =	sshll.u32 s28, $0x1;
	[dreg:$0x2] =	wrdreg s3  }
0xa9: {  	[dreg:$0x3] =	wrdreg s5  }
0xaa: {  	[dreg:$0x4] =	wrdreg $0xC0  }
0xab: {  	_ =	task [dreg:s7], $0x5FFFF  }
0xac: {  	[dreg:$0x1] =	wrdreg $0xFFFFFFFF  }
0xad: {  	[dreg:$0x0] =	wrdreg $0x60  }
0xae: {  	[dreg:$0x2] =	wrdreg s24  }
0xaf: {  	[dreg:$0x3] =	wrdreg s2  }
0xb0: {  	[dreg:$0x4] =	wrdreg $0xB2200  }
0xb1: {  	[dreg:$0x5] =	wrdreg $0x9  }
0xb2: {  	_ =	task.clear_ibuf [dreg:s7], $0x6FFFF;
	_ =	strace $0x90000046  }
0xb3: {  	s29 =	simm.s32 $0x9;
	_ =	strace $0x80000048  }
0xb4: {  	_ =	swait.ge [sflag:s29], $0x1  }
0xb5: {  	[sflag:s29] =	ssyncadd.s32 $0xFFFFFFFF  }
0xb6: {  	_ =	strace $0x90000048  }
0xb7: {  	_ =	sfence  }
0xb8: {  	s30 =	sld [smem:$0x0];
	_ =	sdelay $0x2  }
0xb9: {  	s31 =	sshll.u32 s1, $0xD;
	s1 =	sshrl.u32 s1, $0x2  }
0xba: {  	s3 =	sand.u32 $0x4000, s31;
	s1 =	sadd.s32 s1, s30  }
0xbb: {  	s0 =	sor.u32 s3, s0;
	s1 =	sshll.u32 s1, $0x11  }
0xbc: {  	s0 =	sor.u32 s1, s0  }
0xbd: {  	s0 =	sadd.s32 $0x8F2B, s0  }
0xbe: {  	[sflag:s0] =	ssyncadd.remote.s32 $0x1  }
0xbf: {  	_ =	sfence.sel $0xFFFF  }
0xc0: {  	[dreg:$0x0] =	wrdreg $0xFFFFFFFF;
	(pc) =	sbr.abs _section_cstart, $3  }
0xc1: {  	[dreg:$0x1] =	wrdreg $0xFFFFFFFF  }
0xc2: {  	_ =	task.clear_ibuf [dreg:s7], $0x2FFFF;
	_ =	strace $0x9FFFFFFF  }
0xc3: {  	(tm) =	ssettm $0x7FFFFFFF  }
tec
execute0_lowered:
.L_overlay_start_1:
0x0: {  	(tag) =	ssettag $0x1  }
0x1: {  	s0 =	srdreg.scid  }
0x2: {  	s1 =	rddreg [dreg:$0x0];
	s9 =	stileid.u32;
	s0 =	sand.u32 $0x1, s0  }
0x3: {  	s2 =	rddreg [dreg:$0x1];
	s7 =	smul.u32 $0x13880, s9;
	s3 =	sshll.u32 s0, $0x4  }
0x4: {  	s6 =	smul.u32 $0x138800, s0;
	s0 =	ssub.s32 $0x2, s0;
	s4 =	sor.u32 s9, s3  }
0x5: {  	s3 =	rddreg [dreg:$0x2];
	s9 =	smul.u32 $0x4E200, s9;
	s10 =	sshrl.u32 s0, $0x1  }
0x6: {  	s5 =	smul.u32 $0x4E2, s4;
	s4 =	simm.s32 $0x0;
	s6 =	sadd.s32 s7, s6  }
0x7: {  	s0 =	ssub.s32 s0, s10;
	[smem:$0x7FF] =	sst s4;
	s6 =	sshrl.u32 s6, $0x3  }
0x8: {  	s9 =	sshrl.u32 s9, $0x2;
	s0 =	smax.u32 s0, $0x1;
	s8 =	sadd.s32 s5, s1  }
0x9: {  	s5 =	sadd.s32 $0x1C00, s1;
	s1 =	sadd.s32 s6, s1;
	s6 =	sadd.s32 s9, s3  }
0xa: {  	_ =	strace $0x80000047;
	[dreg:$0x7] =	wrdreg s0;
	s9 =	sadd.s32 $0x12C00, s6  }
0xb: {  	s8 =	sadd.s32 $0x15600, s8;
	[dreg:$0x4] =	wrdreg s9  }
0xc: {  	s1 =	sadd.s32 $0x29000, s1;
	[dreg:$0x5] =	wrdreg s8  }
0xd: {  	s15 =	sadd.s32 $0x1400, s6;
	[dreg:$0x6] =	wrdreg s1  }
0xe: {  	s16 =	sadd.s32 $0x2800, s6;
	[dreg:$0x8] =	wrdreg s15  }
0xf: {  	s28 =	simm.s32 $0x7;
	s17 =	sadd.s32 $0x3C00, s6;
	[dreg:$0x9] =	wrdreg s16  }
0x10: {  	s29 =	simm.s32 $0x2710;
	s18 =	sadd.s32 $0x5000, s6;
	[dreg:$0xa] =	wrdreg s17  }
0x11: {  	s31 =	simm.s32 $0x28;
	s19 =	sadd.s32 $0x6400, s6;
	[dreg:$0xb] =	wrdreg s18  }
0x12: {  	s30 =	simm.s32 $0x6220;
	s20 =	sadd.s32 $0x7800, s6;
	[dreg:$0xc] =	wrdreg s19  }
0x13: {  	s11 =	simm.s32 $0x2;
	s21 =	sadd.s32 $0x8C00, s6;
	[dreg:$0xd] =	wrdreg s20  }
0x14: {  	s12 =	simm.s32 $0x4;
	s22 =	sadd.s32 $0xA000, s6;
	[dreg:$0xe] =	wrdreg s21  }
0x15: {  	s13 =	simm.s32 $0x9E20;
	s23 =	sadd.s32 $0xB400, s6;
	[dreg:$0xf] =	wrdreg s22  }
0x16: {  	s14 =	sadd.s32 s7, s3;
	s24 =	sadd.s32 $0xC800, s6;
	[dreg:$0x10] =	wrdreg s23  }
0x17: {  	s7 =	simm.s32 $0x5820;
	s25 =	sadd.s32 $0xDC00, s6;
	[dreg:$0x11] =	wrdreg s24  }
0x18: {  	s10 =	simm.s32 $0x3;
	s26 =	sadd.s32 $0xF000, s6;
	[dreg:$0x12] =	wrdreg s25  }
0x19: {  	s0 =	simm.s32 $0x5;
	[dreg:$0x13] =	wrdreg s26;
	s23 =	sadd.s32 $0x10400, s6  }
0x1a: {  	s24 =	sadd.s32 $0x11800, s6;
	s25 =	sshrl.u32 s14, $0x3;
	s26 =	simm.s32 $0x8A20  }
0x1b: {  	s1 =	simm.s32 $0x4E20;
	s20 =	simm.s32 $0x2738;
	s8 =	simm.s32 $0x7620  }
0x1c: {  	v0 =	vimm.bf16 $1.4450e+00;
	v1 =	vimm.f32 $0.0e+00;
	v2 =	vimm.bf16 $1.0000e+00;
	s9 =	simm.s32 $0x1;
	s14 =	simm.s32 $0x6;
	s15 =	simm.s32 $0x4DF8  }
.LBB2_1:
0x1d: {  	s16 =	simm.s32 $0x0;
	s17 =	simm.s32 $0x200  }
.LBB2_2:
0x1e: {  	p0 =	sne.s32 s17, $0x4E00;
	[tilespmem:s16+$0x8A90] =	vst v1  }
0x1f: {  	[tilespmem:s16+$0x8A20] =	vst v1  }
0x20: {  	[tilespmem:s16+$0x8A30] =	vst v1  }
.Ltmp0:
0x21: {  	[tilespmem:s16+$0x8A40] =	vst v1;
	(pc) =	sbr.rel @p0 .LBB2_2-.Ltmp0, $4  }
0x22: {  	[tilespmem:s16+$0x8A50] =	vst v1  }
0x23: {  	[tilespmem:s16+$0x8A60] =	vst v1  }
0x24: {  	[tilespmem:s16+$0x8A70] =	vst v1  }
0x25: {  	[tilespmem:s16+$0x8A80] =	vst v1;
	s16 =	sshra.s32 s17, $0x2;
	s17 =	sadd.s32 $0x200, s17  }
0x26: {  	[tilespmem:s16+$0x8A90] =	vst v1  }
0x27: {  	[tilespmem:s16+$0x8A20] =	vst v1  }
0x28: {  	[tilespmem:s16+$0x8A30] =	vst v1  }
0x29: {  	[tilespmem:s16+$0x8A40] =	vst v1  }
0x2a: {  	[tilespmem:s16+$0x8A50] =	vst v1  }
0x2b: {  	[tilespmem:s16+$0x8A60] =	vst v1  }
0x2c: {  	[tilespmem:s16+$0x8A70] =	vst v1  }
0x2d: {  	[tilespmem:s16+$0x8A80] =	vst v1  }
0x2e: {  	[spmem:s6] =	stream.linear.scatter [tilespmem:s26], [sflag:$0x7], $0x1400, $0x38;
	[tilespmem:$0x1EAA0] =	vst v63  }
0x2f: {  	_ =	swait.ge [sflag:s28], $0x1400  }
0x30: {  	[sflag:s28] =	ssyncset.done $0x0  }
0x31: {  	s18 =	rddreg [dreg:$0x8];
	[sflag:s28] =	ssyncadd.s32 $0xFFFFEC00  }
0x32: {  	[spmem:s18] =	stream.linear.scatter [tilespmem:s26], [sflag:$0x7], $0x1400, $0x38;
	[tilespmem:$0x1EAA0] =	vst v63  }
0x33: {  	_ =	swait.ge [sflag:s28], $0x1400  }
0x34: {  	[sflag:s28] =	ssyncset.done $0x0  }
0x35: {  	s19 =	rddreg [dreg:$0x9];
	[sflag:s28] =	ssyncadd.s32 $0xFFFFEC00  }
0x36: {  	[spmem:s19] =	stream.linear.scatter [tilespmem:s26], [sflag:$0x7], $0x1400, $0x38;
	[tilespmem:$0x1EAA0] =	vst v63  }
0x37: {  	_ =	swait.ge [sflag:s28], $0x1400  }
0x38: {  	[sflag:s28] =	ssyncset.done $0x0  }
0x39: {  	s21 =	rddreg [dreg:$0xa];
	[sflag:s28] =	ssyncadd.s32 $0xFFFFEC00  }
0x3a: {  	[spmem:s21] =	stream.linear.scatter [tilespmem:s26], [sflag:$0x7], $0x1400, $0x38;
	[tilespmem:$0x1EAA0] =	vst v63  }
0x3b: {  	_ =	swait.ge [sflag:s28], $0x1400  }
0x3c: {  	[sflag:s28] =	ssyncset.done $0x0  }
0x3d: {  	s22 =	rddreg [dreg:$0xb];
	[sflag:s28] =	ssyncadd.s32 $0xFFFFEC00  }
0x3e: {  	[spmem:s22] =	stream.linear.scatter [tilespmem:s26], [sflag:$0x7], $0x1400, $0x38;
	[tilespmem:$0x1EAA0] =	vst v63  }
0x3f: {  	_ =	swait.ge [sflag:s28], $0x1400  }
0x40: {  	[sflag:s28] =	ssyncset.done $0x0  }
0x41: {  	s17 =	rddreg [dreg:$0xc];
	[sflag:s28] =	ssyncadd.s32 $0xFFFFEC00  }
0x42: {  	[spmem:s17] =	stream.linear.scatter [tilespmem:s26], [sflag:$0x7], $0x1400, $0x38;
	[tilespmem:$0x1EAA0] =	vst v63  }
0x43: {  	_ =	swait.ge [sflag:s28], $0x1400  }
0x44: {  	[sflag:s28] =	ssyncset.done $0x0  }
0x45: {  	s18 =	rddreg [dreg:$0xd];
	[sflag:s28] =	ssyncadd.s32 $0xFFFFEC00  }
0x46: {  	[spmem:s18] =	stream.linear.scatter [tilespmem:s26], [sflag:$0x7], $0x1400, $0x38;
	[tilespmem:$0x1EAA0] =	vst v63  }
0x47: {  	_ =	swait.ge [sflag:s28], $0x1400  }
0x48: {  	[sflag:s28] =	ssyncset.done $0x0  }
0x49: {  	s19 =	rddreg [dreg:$0xe];
	[sflag:s28] =	ssyncadd.s32 $0xFFFFEC00  }
0x4a: {  	[spmem:s19] =	stream.linear.scatter [tilespmem:s26], [sflag:$0x7], $0x1400, $0x38;
	[tilespmem:$0x1EAA0] =	vst v63  }
0x4b: {  	_ =	swait.ge [sflag:s28], $0x1400  }
0x4c: {  	[sflag:s28] =	ssyncset.done $0x0  }
0x4d: {  	s21 =	rddreg [dreg:$0xf];
	[sflag:s28] =	ssyncadd.s32 $0xFFFFEC00  }
0x4e: {  	[spmem:s21] =	stream.linear.scatter [tilespmem:s26], [sflag:$0x7], $0x1400, $0x38;
	[tilespmem:$0x1EAA0] =	vst v63  }
0x4f: {  	_ =	swait.ge [sflag:s28], $0x1400  }
0x50: {  	[sflag:s28] =	ssyncset.done $0x0  }
0x51: {  	s22 =	rddreg [dreg:$0x10];
	[sflag:s28] =	ssyncadd.s32 $0xFFFFEC00  }
0x52: {  	[spmem:s22] =	stream.linear.scatter [tilespmem:s26], [sflag:$0x7], $0x1400, $0x38;
	[tilespmem:$0x1EAA0] =	vst v63  }
0x53: {  	_ =	swait.ge [sflag:s28], $0x1400  }
0x54: {  	[sflag:s28] =	ssyncset.done $0x0  }
0x55: {  	s17 =	rddreg [dreg:$0x11];
	[sflag:s28] =	ssyncadd.s32 $0xFFFFEC00  }
0x56: {  	[spmem:s17] =	stream.linear.scatter [tilespmem:s26], [sflag:$0x7], $0x1400, $0x38;
	[tilespmem:$0x1EAA0] =	vst v63  }
0x57: {  	_ =	swait.ge [sflag:s28], $0x1400  }
0x58: {  	[sflag:s28] =	ssyncset.done $0x0  }
0x59: {  	s18 =	rddreg [dreg:$0x12];
	[sflag:s28] =	ssyncadd.s32 $0xFFFFEC00  }
0x5a: {  	[spmem:s18] =	stream.linear.scatter [tilespmem:s26], [sflag:$0x7], $0x1400, $0x38;
	[tilespmem:$0x1EAA0] =	vst v63  }
0x5b: {  	_ =	swait.ge [sflag:s28], $0x1400  }
0x5c: {  	[sflag:s28] =	ssyncset.done $0x0  }
0x5d: {  	s19 =	rddreg [dreg:$0x13];
	[sflag:s28] =	ssyncadd.s32 $0xFFFFEC00  }
0x5e: {  	[spmem:s19] =	stream.linear.scatter [tilespmem:s26], [sflag:$0x7], $0x1400, $0x38;
	[tilespmem:$0x1EAA0] =	vst v63  }
0x5f: {  	_ =	swait.ge [sflag:s28], $0x1400  }
0x60: {  	[sflag:s28] =	ssyncset.done $0x0  }
0x61: {  	[sflag:s28] =	ssyncadd.s32 $0xFFFFEC00  }
0x62: {  	[spmem:s23] =	stream.linear.scatter [tilespmem:s26], [sflag:$0x7], $0x1400, $0x38;
	[tilespmem:$0x1EAA0] =	vst v63  }
0x63: {  	_ =	swait.ge [sflag:s28], $0x1400  }
0x64: {  	[sflag:s28] =	ssyncset.done $0x0  }
0x65: {  	[sflag:s28] =	ssyncadd.s32 $0xFFFFEC00  }
0x66: {  	[spmem:s24] =	stream.linear.scatter [tilespmem:s26], [sflag:$0x7], $0x1400, $0x38;
	[tilespmem:$0x1EAA0] =	vst v63  }
0x67: {  	_ =	swait.ge [sflag:s28], $0x1400  }
0x68: {  	[sflag:s28] =	ssyncset.done $0x0  }
0x69: {  	s21 =	rddreg [dreg:$0x4];
	[sflag:s28] =	ssyncadd.s32 $0xFFFFEC00  }
0x6a: {  	[spmem:s21] =	stream.linear.scatter [tilespmem:s26], [sflag:$0x7], $0xC80, $0x38;
	[tilespmem:$0x1EAA0] =	vst v63  }
0x6b: {  	_ =	swait.ge [sflag:s28], $0xC80  }
0x6c: {  	[sflag:s28] =	ssyncset.done $0x0  }
0x6d: {  	[sflag:s28] =	ssyncadd.s32 $0xFFFFF380  }
0x6e: {  	[bflag:$0x0] =	sbarrier.arrive $0xFFFF  }
0x6f: {  	s22 =	simm.s32 $0x0;
	s18 =	simm.s32 $0x4E200;
	s17 =	rddreg [dreg:$0x5]  }
0x70: {  	[tilespmem:s22], [sflag:$0x7] =	stream.strided.gather [hbm4b:s17+s29], $0x4E20, s18, s29, $0x38;
	[tilespmem:$0x1EAA0] =	vst v63  }
0x71: {  	_ =	swait.ge [sflag:s28], $0x4E20  }
0x72: {  	[sflag:s28] =	ssyncset.done $0x0  }
0x73: {  	[sflag:s28] =	ssyncadd.s32 $0xFFFFB1E0  }
0x74: {  	[tilespmem:s1], [sflag:$0x1] =	stream.indirect.gather [hbm4b:s5+s31], $0x40, s29, s31, $0xb8;
	[tilespmem:$0x1EAA0] =	vst v63  }
0x75: {  	_ = 	snop  }
0x76: {  	[tilespmem:s30], [sflag:$0x3] =	stream.indirect.gather [hbm4b:s2+s31], $0x80, s22, s31, $0xb8;
	[tilespmem:$0x1EAA0] =	vst v63  }
0x77: {  	_ = 	snop  }
0x78: {  	[tilespmem:s7], [sflag:$0x2] =	stream.indirect.gather [hbm4b:s5+s31], $0x40, s20, s31, $0xb8;
	[tilespmem:$0x1EAA0] =	vst v63  }
0x79: {  	_ = 	snop  }
0x7a: {  	[tilespmem:s8], [sflag:$0x4] =	stream.indirect.gather [hbm4b:s2+s31], $0x80, s31, s31, $0xb8;
	[tilespmem:$0x1EAA0] =	vst v63  }
0x7b: {  	_ =	swait.ge [sflag:s9], $0xA00  }
0x7c: {  	[sflag:s9] =	ssyncset.done $0x0  }
0x7d: {  	[sflag:s9] =	ssyncadd.s32 $0xFFFFF600  }
0x7e: {  	_ =	swait.ge [sflag:s10], $0x1400  }
0x7f: {  	[sflag:s10] =	ssyncset.done $0x0  }
0x80: {  	s16 =	simm.s32 $0x0;
	[sflag:s10] =	ssyncadd.s32 $0xFFFFEC00  }
0x81: {  	s17 =	simm.s32 $0x4E40;
	v3 =	vld [tilespmem:s16+$0x6240]  }
0x82: {  	v4 =	vld [tilespmem:s17+$0x0]  }
0x83: {  	v5 =	vld [tilespmem:s17+$0xFFFFFFF0]  }
0x84: {  	v6 =	vld [tilespmem:s16+$0x6230];
	_ =	sdelay $0x1  }
0x85: {  	v7 =	vld [tilespmem:s16+$0x6250]  }
0x86: {  	v8 =	vld [tilespmem:s17+$0x10];
	v3 =	vadd.bf16 v3, v4  }
0x87: {  	v9 =	vld [tilespmem:s16+$0x6220]  }
0x88: {  	v4 =	vld [tilespmem:s17+$0xFFFFFFE0];
	v5 =	vadd.bf16 v6, v5;
	v3 =	vmul.bf16 v0, v3;
	_ =	sdelay $0x1  }
0x89: {  	v5 =	vmul.bf16 v0, v5;
	(erf) = vpow2.bf16 v3  }
0x8a: {  	v6 =	vadd.bf16 v7, v8  }
0x8b: {  	(erf) = vpow2.bf16 v5  }
0x8c: {  	v3 =	vadd.bf16 v9, v4;
	v4 =	vmul.bf16 v0, v6;
	_ =	sdelay $0x1  }
0x8d: {  	v3 =	vmul.bf16 v0, v3;
	(erf) = vpow2.bf16 v4;
	_ =	sdelay $0x1  }
0x8e: {  	(erf) = vpow2.bf16 v3;
	_ =	sdelay $0x2  }
0x8f: {  	v3 =	vpop (erf)  }
0x90: {  	v3 =	vadd.bf16 v2, v3  }
0x91: {  	v4 =	vpop (erf)  }
0x92: {  	v4 =	vadd.bf16 v2, v4  }
0x93: {  	(erf) = vrcp.bf16 v3  }
0x94: {  	v3 =	vpop (erf)  }
0x95: {  	(erf) = vrcp.bf16 v4;
	v5 =	vadd.bf16 v2, v3  }
0x96: {  	v4 =	vpop (erf)  }
0x97: {  	v4 =	vadd.bf16 v2, v4;
	(erf) = vrcp.bf16 v5;
	_ =	sdelay $0x1  }
0x98: {  	v5 =	vld [tilespmem:s16+$0x6280];
	(erf) = vrcp.bf16 v4  }
0x99: {  	v3 =	vld [tilespmem:s16+$0x6290]  }
0x9a: {  	s18 =	simm.s32 $0x200;
	v4 =	vld [tilespmem:s16+$0x6270]  }
.LBB2_4:
0x9b: {  	p0 =	sne.s32 s18, $0x4E00  }
0x9c: {  	s17 =	sadd.s32 $0x40, s17;
	s19 =	smov.u32 s18;
	s18 =	sadd.s32 $0x200, s18;
	v6 =	vpop (erf)  }
0x9d: {  	v5 =	vmul.bf16 v6, v5  }
0x9e: {  	v6 =	vld [tilespmem:s16+$0x6260];
	v7 =	vpop (erf)  }
0x9f: {  	v4 =	vmul.bf16 v7, v4;
	v8 =	vshll.u32 v5, $0x10;
	v5 =	vand.u32 $0xFFFF0000, v5  }
0xa0: {  	[tilespmem:s16+$0x8A60] =	vst v8;
	v7 =	vpop (erf)  }
0xa1: {  	v3 =	vmul.bf16 v7, v3;
	v7 =	vshll.u32 v4, $0x10;
	v4 =	vand.u32 $0xFFFF0000, v4;
	[tilespmem:s16+$0x8A70] =	vst v5  }
0xa2: {  	[tilespmem:s16+$0x8A40] =	vst v7;
	v5 =	vpop (erf)  }
0xa3: {  	s19 =	sshra.s32 s19, $0x2;
	v5 =	vmul.bf16 v5, v6;
	[tilespmem:s16+$0x8A50] =	vst v4;
	v4 =	vshll.u32 v3, $0x10;
	v3 =	vand.u32 $0xFFFF0000, v3  }
0xa4: {  	v6 =	vld [tilespmem:s19+$0x6220];
	[tilespmem:s16+$0x8A80] =	vst v4  }
0xa5: {  	v4 =	vld [tilespmem:s19+$0x6250];
	v7 =	vshll.u32 v5, $0x10;
	v5 =	vand.u32 $0xFFFF0000, v5;
	[tilespmem:s16+$0x8A90] =	vst v3  }
0xa6: {  	v8 =	vld [tilespmem:s19+$0x6240];
	[tilespmem:s16+$0x8A20] =	vst v7  }
0xa7: {  	v3 =	vld [tilespmem:s19+$0x6290];
	[tilespmem:s16+$0x8A30] =	vst v5;
	s16 =	smov.u32 s19  }
0xa8: {  	v5 =	vld [tilespmem:s17+$0x0]  }
0xa9: {  	v7 =	vld [tilespmem:s17+$0xFFFFFFF0]  }
0xaa: {  	v9 =	vld [tilespmem:s16+$0x6230];
	_ =	sdelay $0x1  }
0xab: {  	v10 =	vld [tilespmem:s17+$0x10]  }
0xac: {  	v5 =	vadd.bf16 v8, v5  }
0xad: {  	v8 =	vld [tilespmem:s17+$0xFFFFFFE0]  }
0xae: {  	v7 =	vadd.bf16 v9, v7;
	v5 =	vmul.bf16 v0, v5;
	_ =	sdelay $0x1  }
0xaf: {  	v7 =	vmul.bf16 v0, v7;
	v4 =	vadd.bf16 v4, v10;
	(erf) = vpow2.bf16 v5;
	_ =	sdelay $0x1  }
0xb0: {  	v5 =	vadd.bf16 v6, v8;
	v4 =	vmul.bf16 v0, v4;
	(erf) = vpow2.bf16 v7;
	_ =	sdelay $0x1  }
0xb1: {  	v5 =	vmul.bf16 v0, v5;
	(erf) = vpow2.bf16 v4;
	_ =	sdelay $0x1  }
0xb2: {  	(erf) = vpow2.bf16 v5;
	_ =	sdelay $0x3  }
0xb3: {  	v4 =	vpop (erf)  }
0xb4: {  	v6 =	vadd.bf16 v2, v4  }
0xb5: {  	v5 =	vpop (erf)  }
0xb6: {  	v7 =	vadd.bf16 v2, v5;
	(erf) = vrcp.bf16 v6  }
0xb7: {  	v4 =	vpop (erf)  }
0xb8: {  	v4 =	vadd.bf16 v2, v4;
	(erf) = vrcp.bf16 v7  }
0xb9: {  	v5 =	vpop (erf)  }
.Ltmp1:
0xba: {  	v6 =	vadd.bf16 v2, v5;
	(erf) = vrcp.bf16 v4;
	(pc) =	sbr.rel @p0 .LBB2_4-.Ltmp1, $3  }
0xbb: {  	_ = 	snop  }
0xbc: {  	v5 =	vld [tilespmem:s16+$0x6280];
	(erf) = vrcp.bf16 v6;
	_ =	sdelay $0x1  }
0xbd: {  	v4 =	vld [tilespmem:s16+$0x6270]  }
0xbe: {  	_ = 	snop  }
0xbf: {  	v6 =	vpop (erf)  }
0xc0: {  	v5 =	vmul.bf16 v6, v5  }
0xc1: {  	v7 =	vpop (erf)  }
0xc2: {  	v4 =	vmul.bf16 v7, v4;
	v7 =	vshll.u32 v5, $0x10  }
0xc3: {  	v6 =	vld [tilespmem:s16+$0x6260]  }
0xc4: {  	v5 =	vand.u32 $0xFFFF0000, v5  }
0xc5: {  	[tilespmem:s16+$0x8A60] =	vst v7;
	v7 =	vpop (erf)  }
0xc6: {  	[tilespmem:s16+$0x8A70] =	vst v5;
	v3 =	vmul.bf16 v7, v3;
	v7 =	vshll.u32 v4, $0x10  }
0xc7: {  	v4 =	vand.u32 $0xFFFF0000, v4;
	v5 =	vpop (erf);
	[tilespmem:s16+$0x8A40] =	vst v7  }
0xc8: {  	v5 =	vmul.bf16 v5, v6;
	[tilespmem:s16+$0x8A50] =	vst v4;
	v4 =	vshll.u32 v3, $0x10  }
0xc9: {  	v3 =	vand.u32 $0xFFFF0000, v3;
	[tilespmem:s16+$0x8A80] =	vst v4  }
0xca: {  	v4 =	vshll.u32 v5, $0x10;
	[tilespmem:s16+$0x8A90] =	vst v3  }
0xcb: {  	v3 =	vand.u32 $0xFFFF0000, v5;
	[tilespmem:s16+$0x8A20] =	vst v4  }
0xcc: {  	[tilespmem:s16+$0x8A30] =	vst v3  }
0xcd: {  	[spmem:s3] =	stream.indirect.scatter.add.f32 [tilespmem:s26], [sflag:$0x5], $0x80, s29, s31, $0xb8;
	[tilespmem:$0x1EAA0] =	vst v63  }
0xce: {  	s21 =	simm.s32 $0x2760  }
0xcf: {  	[tilespmem:s1], [sflag:$0x1] =	stream.indirect.gather [hbm4b:s5+s31], $0x40, s21, s31, $0xb8;
	[tilespmem:$0x1EAA0] =	vst v63  }
0xd0: {  	s22 =	simm.s32 $0x50  }
0xd1: {  	[tilespmem:s30], [sflag:$0x3] =	stream.indirect.gather [hbm4b:s2+s31], $0x80, s22, s31, $0xb8;
	[tilespmem:$0x1EAA0] =	vst v63  }
0xd2: {  	_ =	swait.ge [sflag:s11], $0xA00  }
0xd3: {  	[sflag:s11] =	ssyncset.done $0x0  }
0xd4: {  	[sflag:s11] =	ssyncadd.s32 $0xFFFFF600  }
0xd5: {  	_ =	swait.ge [sflag:s12], $0x1400  }
0xd6: {  	[sflag:s12] =	ssyncset.done $0x0  }
0xd7: {  	s16 =	simm.s32 $0x0;
	[sflag:s12] =	ssyncadd.s32 $0xFFFFEC00  }
0xd8: {  	s17 =	simm.s32 $0x5840;
	v3 =	vld [tilespmem:s16+$0x7640]  }
0xd9: {  	v4 =	vld [tilespmem:s17+$0x0]  }
0xda: {  	v5 =	vld [tilespmem:s17+$0xFFFFFFF0]  }
0xdb: {  	v6 =	vld [tilespmem:s16+$0x7630];
	_ =	sdelay $0x1  }
0xdc: {  	v7 =	vld [tilespmem:s16+$0x7650]  }
0xdd: {  	v8 =	vld [tilespmem:s17+$0x10];
	v3 =	vadd.bf16 v3, v4  }
0xde: {  	v9 =	vld [tilespmem:s16+$0x7620]  }
0xdf: {  	v4 =	vld [tilespmem:s17+$0xFFFFFFE0];
	v5 =	vadd.bf16 v6, v5;
	v3 =	vmul.bf16 v0, v3;
	_ =	sdelay $0x1  }
0xe0: {  	v5 =	vmul.bf16 v0, v5;
	(erf) = vpow2.bf16 v3  }
0xe1: {  	v6 =	vadd.bf16 v7, v8  }
0xe2: {  	(erf) = vpow2.bf16 v5  }
0xe3: {  	v3 =	vadd.bf16 v9, v4;
	v4 =	vmul.bf16 v0, v6;
	_ =	sdelay $0x1  }
0xe4: {  	v3 =	vmul.bf16 v0, v3;
	(erf) = vpow2.bf16 v4;
	_ =	sdelay $0x1  }
0xe5: {  	(erf) = vpow2.bf16 v3;
	_ =	sdelay $0x2  }
0xe6: {  	v3 =	vpop (erf)  }
0xe7: {  	v3 =	vadd.bf16 v2, v3  }
0xe8: {  	v4 =	vpop (erf)  }
0xe9: {  	v4 =	vadd.bf16 v2, v4  }
0xea: {  	(erf) = vrcp.bf16 v3  }
0xeb: {  	v3 =	vpop (erf)  }
0xec: {  	(erf) = vrcp.bf16 v4;
	v5 =	vadd.bf16 v2, v3  }
0xed: {  	v4 =	vpop (erf)  }
0xee: {  	v4 =	vadd.bf16 v2, v4;
	(erf) = vrcp.bf16 v5;
	_ =	sdelay $0x1  }
0xef: {  	v5 =	vld [tilespmem:s16+$0x7680];
	(erf) = vrcp.bf16 v4  }
0xf0: {  	v3 =	vld [tilespmem:s16+$0x7690]  }
0xf1: {  	s18 =	simm.s32 $0x200;
	v4 =	vld [tilespmem:s16+$0x7670]  }
.LBB2_6:
0xf2: {  	p0 =	sne.s32 s18, $0x4E00  }
0xf3: {  	s17 =	sadd.s32 $0x40, s17;
	s19 =	smov.u32 s18;
	s18 =	sadd.s32 $0x200, s18;
	v6 =	vpop (erf)  }
0xf4: {  	v5 =	vmul.bf16 v6, v5  }
0xf5: {  	v6 =	vld [tilespmem:s16+$0x7660];
	v7 =	vpop (erf)  }
0xf6: {  	v4 =	vmul.bf16 v7, v4;
	v8 =	vshll.u32 v5, $0x10;
	v5 =	vand.u32 $0xFFFF0000, v5  }
0xf7: {  	[tilespmem:s16+$0x9E60] =	vst v8;
	v7 =	vpop (erf)  }
0xf8: {  	v3 =	vmul.bf16 v7, v3;
	v7 =	vshll.u32 v4, $0x10;
	v4 =	vand.u32 $0xFFFF0000, v4;
	[tilespmem:s16+$0x9E70] =	vst v5  }
0xf9: {  	[tilespmem:s16+$0x9E40] =	vst v7;
	v5 =	vpop (erf)  }
0xfa: {  	s19 =	sshra.s32 s19, $0x2;
	v5 =	vmul.bf16 v5, v6;
	[tilespmem:s16+$0x9E50] =	vst v4;
	v4 =	vshll.u32 v3, $0x10;
	v3 =	vand.u32 $0xFFFF0000, v3  }
0xfb: {  	v6 =	vld [tilespmem:s19+$0x7620];
	[tilespmem:s16+$0x9E80] =	vst v4  }
0xfc: {  	v4 =	vld [tilespmem:s19+$0x7650];
	v7 =	vshll.u32 v5, $0x10;
	v5 =	vand.u32 $0xFFFF0000, v5;
	[tilespmem:s16+$0x9E90] =	vst v3  }
0xfd: {  	v8 =	vld [tilespmem:s19+$0x7640];
	[tilespmem:s16+$0x9E20] =	vst v7  }
0xfe: {  	v3 =	vld [tilespmem:s19+$0x7690];
	[tilespmem:s16+$0x9E30] =	vst v5;
	s16 =	smov.u32 s19  }
0xff: {  	v5 =	vld [tilespmem:s17+$0x0]  }
0x100: {  	v7 =	vld [tilespmem:s17+$0xFFFFFFF0]  }
0x101: {  	v9 =	vld [tilespmem:s16+$0x7630];
	_ =	sdelay $0x1  }
0x102: {  	v10 =	vld [tilespmem:s17+$0x10]  }
0x103: {  	v5 =	vadd.bf16 v8, v5  }
0x104: {  	v8 =	vld [tilespmem:s17+$0xFFFFFFE0]  }
0x105: {  	v7 =	vadd.bf16 v9, v7;
	v5 =	vmul.bf16 v0, v5;
	_ =	sdelay $0x1  }
0x106: {  	v7 =	vmul.bf16 v0, v7;
	v4 =	vadd.bf16 v4, v10;
	(erf) = vpow2.bf16 v5;
	_ =	sdelay $0x1  }
0x107: {  	v5 =	vadd.bf16 v6, v8;
	v4 =	vmul.bf16 v0, v4;
	(erf) = vpow2.bf16 v7;
	_ =	sdelay $0x1  }
0x108: {  	v5 =	vmul.bf16 v0, v5;
	(erf) = vpow2.bf16 v4;
	_ =	sdelay $0x1  }
0x109: {  	(erf) = vpow2.bf16 v5;
	_ =	sdelay $0x3  }
0x10a: {  	v4 =	vpop (erf)  }
0x10b: {  	v6 =	vadd.bf16 v2, v4  }
0x10c: {  	v5 =	vpop (erf)  }
0x10d: {  	v7 =	vadd.bf16 v2, v5;
	(erf) = vrcp.bf16 v6  }
0x10e: {  	v4 =	vpop (erf)  }
0x10f: {  	v4 =	vadd.bf16 v2, v4;
	(erf) = vrcp.bf16 v7  }
0x110: {  	v5 =	vpop (erf)  }
.Ltmp2:
0x111: {  	v6 =	vadd.bf16 v2, v5;
	(erf) = vrcp.bf16 v4;
	(pc) =	sbr.rel @p0 .LBB2_6-.Ltmp2, $3  }
0x112: {  	_ = 	snop  }
0x113: {  	v5 =	vld [tilespmem:s16+$0x7680];
	(erf) = vrcp.bf16 v6;
	_ =	sdelay $0x1  }
0x114: {  	v4 =	vld [tilespmem:s16+$0x7670]  }
0x115: {  	_ = 	snop  }
0x116: {  	v6 =	vpop (erf)  }
0x117: {  	v5 =	vmul.bf16 v6, v5  }
0x118: {  	v57 =	vld [tilespmem:s16+$0x7660];
	v7 =	vpop (erf)  }
0x119: {  	v4 =	vmul.bf16 v7, v4;
	v58 =	vshll.u32 v5, $0x10  }
0x11a: {  	v5 =	vand.u32 $0xFFFF0000, v5;
	[tilespmem:s16+$0x9E60] =	vst v58;
	v59 =	vpop (erf)  }
0x11b: {  	[tilespmem:s16+$0x9E70] =	vst v5;
	v3 =	vmul.bf16 v59, v3;
	v60 =	vshll.u32 v4, $0x10  }
0x11c: {  	v4 =	vand.u32 $0xFFFF0000, v4;
	[tilespmem:s16+$0x9E40] =	vst v60;
	v61 =	vpop (erf)  }
0x11d: {  	[tilespmem:s16+$0x9E50] =	vst v4;
	v5 =	vmul.bf16 v61, v57;
	v62 =	vshll.u32 v3, $0x10  }
0x11e: {  	v3 =	vand.u32 $0xFFFF0000, v3;
	[tilespmem:s16+$0x9E80] =	vst v62  }
0x11f: {  	[tilespmem:s16+$0x9E90] =	vst v3;
	v63 =	vshll.u32 v5, $0x10  }
0x120: {  	v3 =	vand.u32 $0xFFFF0000, v5;
	[tilespmem:s16+$0x9E20] =	vst v63  }
0x121: {  	[tilespmem:s16+$0x9E30] =	vst v3;
	s16 =	simm.s32 $0x0  }
0x122: {  	[spmem:s3] =	stream.indirect.scatter.add.f32 [tilespmem:s13], [sflag:$0x6], $0x80, s20, s31, $0xb8;
	[tilespmem:$0x1EAA0] =	vst v63  }
.LBB2_8:
0x123: {  	s16 =	sadd.s32 $0x1, s16  }
0x124: {  	s17 =	smul.u32 $0x140, s16;
	_ =	sdelay $0x1  }
0x125: {  	s18 =	sshra.s32 s17, $0x2  }
0x126: {  	s17 =	sadd.s32 $0x2738, s18  }
0x127: {  	[tilespmem:s7], [sflag:$0x2] =	stream.indirect.gather [hbm4b:s5+s31], $0x40, s17, s31, $0xb8;
	[tilespmem:$0x1EAA0] =	vst v63  }
0x128: {  	s19 =	sadd.s32 $0x28, s18  }
0x129: {  	[tilespmem:s8], [sflag:$0x4] =	stream.indirect.gather [hbm4b:s2+s31], $0x80, s19, s31, $0xb8;
	[tilespmem:$0x1EAA0] =	vst v63  }
0x12a: {  	_ =	swait.ge [sflag:s9], $0xA00  }
0x12b: {  	[sflag:s9] =	ssyncset.done $0x0  }
0x12c: {  	[sflag:s9] =	ssyncadd.s32 $0xFFFFF600  }
0x12d: {  	_ =	swait.ge [sflag:s10], $0x1400  }
0x12e: {  	[sflag:s10] =	ssyncset.done $0x0  }
0x12f: {  	[sflag:s10] =	ssyncadd.s32 $0xFFFFEC00  }
0x130: {  	_ =	swait.ge [sflag:s0], $0x1400  }
0x131: {  	[sflag:s0] =	ssyncset.done $0x0  }
0x132: {  	s19 =	simm.s32 $0x0;
	[sflag:s0] =	ssyncadd.s32 $0xFFFFEC00  }
0x133: {  	s20 =	simm.s32 $0x4E40;
	v3 =	vld [tilespmem:s19+$0x6240]  }
0x134: {  	v4 =	vld [tilespmem:s20+$0x0]  }
0x135: {  	v5 =	vld [tilespmem:s20+$0xFFFFFFF0]  }
0x136: {  	v6 =	vld [tilespmem:s19+$0x6230];
	_ =	sdelay $0x1  }
0x137: {  	v7 =	vld [tilespmem:s19+$0x6250]  }
0x138: {  	v8 =	vld [tilespmem:s20+$0x10];
	v3 =	vadd.bf16 v3, v4  }
0x139: {  	v9 =	vld [tilespmem:s19+$0x6220]  }
0x13a: {  	v4 =	vld [tilespmem:s20+$0xFFFFFFE0];
	v5 =	vadd.bf16 v6, v5;
	v3 =	vmul.bf16 v0, v3;
	_ =	sdelay $0x1  }
0x13b: {  	v5 =	vmul.bf16 v0, v5;
	(erf) = vpow2.bf16 v3  }
0x13c: {  	v6 =	vadd.bf16 v7, v8  }
0x13d: {  	(erf) = vpow2.bf16 v5  }
0x13e: {  	v3 =	vadd.bf16 v9, v4;
	v4 =	vmul.bf16 v0, v6;
	_ =	sdelay $0x1  }
0x13f: {  	v3 =	vmul.bf16 v0, v3;
	(erf) = vpow2.bf16 v4;
	_ =	sdelay $0x1  }
0x140: {  	(erf) = vpow2.bf16 v3;
	_ =	sdelay $0x2  }
0x141: {  	v3 =	vpop (erf)  }
0x142: {  	v3 =	vadd.bf16 v2, v3  }
0x143: {  	v4 =	vpop (erf)  }
0x144: {  	v4 =	vadd.bf16 v2, v4  }
0x145: {  	(erf) = vrcp.bf16 v3  }
0x146: {  	v3 =	vpop (erf)  }
0x147: {  	(erf) = vrcp.bf16 v4;
	v5 =	vadd.bf16 v2, v3  }
0x148: {  	v4 =	vpop (erf)  }
0x149: {  	v4 =	vadd.bf16 v2, v4;
	(erf) = vrcp.bf16 v5;
	_ =	sdelay $0x1  }
0x14a: {  	v5 =	vld [tilespmem:s19+$0x6280];
	(erf) = vrcp.bf16 v4  }
0x14b: {  	v3 =	vld [tilespmem:s19+$0x6290]  }
0x14c: {  	s21 =	simm.s32 $0x200;
	v4 =	vld [tilespmem:s19+$0x6270]  }
.LBB2_9:
0x14d: {  	p0 =	sne.s32 s21, $0x4E00  }
0x14e: {  	s20 =	sadd.s32 $0x40, s20;
	s22 =	smov.u32 s21;
	s21 =	sadd.s32 $0x200, s21;
	v6 =	vpop (erf)  }
0x14f: {  	v5 =	vmul.bf16 v6, v5  }
0x150: {  	v6 =	vld [tilespmem:s19+$0x6260];
	v7 =	vpop (erf)  }
0x151: {  	v4 =	vmul.bf16 v7, v4;
	v8 =	vshll.u32 v5, $0x10;
	v5 =	vand.u32 $0xFFFF0000, v5  }
0x152: {  	[tilespmem:s19+$0x8A60] =	vst v8;
	v7 =	vpop (erf)  }
0x153: {  	v3 =	vmul.bf16 v7, v3;
	v7 =	vshll.u32 v4, $0x10;
	v4 =	vand.u32 $0xFFFF0000, v4;
	[tilespmem:s19+$0x8A70] =	vst v5  }
0x154: {  	[tilespmem:s19+$0x8A40] =	vst v7;
	v5 =	vpop (erf)  }
0x155: {  	s22 =	sshra.s32 s22, $0x2;
	v5 =	vmul.bf16 v5, v6;
	[tilespmem:s19+$0x8A50] =	vst v4;
	v4 =	vshll.u32 v3, $0x10;
	v3 =	vand.u32 $0xFFFF0000, v3  }
0x156: {  	v6 =	vld [tilespmem:s22+$0x6220];
	[tilespmem:s19+$0x8A80] =	vst v4  }
0x157: {  	v4 =	vld [tilespmem:s22+$0x6250];
	v7 =	vshll.u32 v5, $0x10;
	v5 =	vand.u32 $0xFFFF0000, v5;
	[tilespmem:s19+$0x8A90] =	vst v3  }
0x158: {  	v8 =	vld [tilespmem:s22+$0x6240];
	[tilespmem:s19+$0x8A20] =	vst v7  }
0x159: {  	v3 =	vld [tilespmem:s22+$0x6290];
	[tilespmem:s19+$0x8A30] =	vst v5;
	s19 =	smov.u32 s22  }
0x15a: {  	v5 =	vld [tilespmem:s20+$0x0]  }
0x15b: {  	v7 =	vld [tilespmem:s20+$0xFFFFFFF0]  }
0x15c: {  	v9 =	vld [tilespmem:s19+$0x6230];
	_ =	sdelay $0x1  }
0x15d: {  	v10 =	vld [tilespmem:s20+$0x10]  }
0x15e: {  	v5 =	vadd.bf16 v8, v5  }
0x15f: {  	v8 =	vld [tilespmem:s20+$0xFFFFFFE0]  }
0x160: {  	v7 =	vadd.bf16 v9, v7;
	v5 =	vmul.bf16 v0, v5;
	_ =	sdelay $0x1  }
0x161: {  	v7 =	vmul.bf16 v0, v7;
	v4 =	vadd.bf16 v4, v10;
	(erf) = vpow2.bf16 v5;
	_ =	sdelay $0x1  }
0x162: {  	v5 =	vadd.bf16 v6, v8;
	v4 =	vmul.bf16 v0, v4;
	(erf) = vpow2.bf16 v7;
	_ =	sdelay $0x1  }
0x163: {  	v5 =	vmul.bf16 v0, v5;
	(erf) = vpow2.bf16 v4;
	_ =	sdelay $0x1  }
0x164: {  	(erf) = vpow2.bf16 v5;
	_ =	sdelay $0x3  }
0x165: {  	v4 =	vpop (erf)  }
0x166: {  	v6 =	vadd.bf16 v2, v4  }
0x167: {  	v5 =	vpop (erf)  }
0x168: {  	v7 =	vadd.bf16 v2, v5;
	(erf) = vrcp.bf16 v6  }
0x169: {  	v4 =	vpop (erf)  }
0x16a: {  	v4 =	vadd.bf16 v2, v4;
	(erf) = vrcp.bf16 v7  }
0x16b: {  	v5 =	vpop (erf)  }
.Ltmp3:
0x16c: {  	v6 =	vadd.bf16 v2, v5;
	(erf) = vrcp.bf16 v4;
	(pc) =	sbr.rel @p0 .LBB2_9-.Ltmp3, $3  }
0x16d: {  	_ = 	snop  }
0x16e: {  	v5 =	vld [tilespmem:s19+$0x6280];
	(erf) = vrcp.bf16 v6;
	_ =	sdelay $0x1  }
0x16f: {  	v4 =	vld [tilespmem:s19+$0x6270]  }
0x170: {  	_ = 	snop  }
0x171: {  	v6 =	vpop (erf)  }
0x172: {  	v5 =	vmul.bf16 v6, v5  }
0x173: {  	v7 =	vpop (erf)  }
0x174: {  	v4 =	vmul.bf16 v7, v4;
	v7 =	vshll.u32 v5, $0x10  }
0x175: {  	v6 =	vld [tilespmem:s19+$0x6260]  }
0x176: {  	v5 =	vand.u32 $0xFFFF0000, v5  }
0x177: {  	[tilespmem:s19+$0x8A60] =	vst v7;
	v7 =	vpop (erf)  }
0x178: {  	[tilespmem:s19+$0x8A70] =	vst v5;
	v3 =	vmul.bf16 v7, v3;
	v7 =	vshll.u32 v4, $0x10  }
0x179: {  	v4 =	vand.u32 $0xFFFF0000, v4;
	v5 =	vpop (erf);
	[tilespmem:s19+$0x8A40] =	vst v7  }
0x17a: {  	v5 =	vmul.bf16 v5, v6;
	[tilespmem:s19+$0x8A50] =	vst v4;
	v4 =	vshll.u32 v3, $0x10  }
0x17b: {  	v3 =	vand.u32 $0xFFFF0000, v3;
	[tilespmem:s19+$0x8A80] =	vst v4  }
0x17c: {  	v4 =	vshll.u32 v5, $0x10;
	[tilespmem:s19+$0x8A90] =	vst v3  }
0x17d: {  	v3 =	vand.u32 $0xFFFF0000, v5;
	[tilespmem:s19+$0x8A20] =	vst v4  }
0x17e: {  	s20 =	sadd.s32 $0x2710, s18;
	[tilespmem:s19+$0x8A30] =	vst v3  }
0x17f: {  	[spmem:s3] =	stream.indirect.scatter.add.f32 [tilespmem:s26], [sflag:$0x5], $0x80, s20, s31, $0xb8;
	[tilespmem:$0x1EAA0] =	vst v63  }
0x180: {  	s21 =	sadd.s32 $0x2760, s18  }
0x181: {  	[tilespmem:s1], [sflag:$0x1] =	stream.indirect.gather [hbm4b:s5+s31], $0x40, s21, s31, $0xb8;
	[tilespmem:$0x1EAA0] =	vst v63  }
0x182: {  	s22 =	sadd.s32 $0x50, s18  }
0x183: {  	[tilespmem:s30], [sflag:$0x3] =	stream.indirect.gather [hbm4b:s2+s31], $0x80, s22, s31, $0xb8;
	[tilespmem:$0x1EAA0] =	vst v63  }
0x184: {  	_ =	swait.ge [sflag:s11], $0xA00  }
0x185: {  	[sflag:s11] =	ssyncset.done $0x0  }
0x186: {  	[sflag:s11] =	ssyncadd.s32 $0xFFFFF600  }
0x187: {  	_ =	swait.ge [sflag:s12], $0x1400  }
0x188: {  	[sflag:s12] =	ssyncset.done $0x0  }
0x189: {  	[sflag:s12] =	ssyncadd.s32 $0xFFFFEC00  }
0x18a: {  	_ =	swait.ge [sflag:s14], $0x1400  }
0x18b: {  	[sflag:s14] =	ssyncset.done $0x0  }
0x18c: {  	s18 =	simm.s32 $0x0;
	[sflag:s14] =	ssyncadd.s32 $0xFFFFEC00  }
0x18d: {  	s19 =	simm.s32 $0x5840;
	v3 =	vld [tilespmem:s18+$0x7640]  }
0x18e: {  	v4 =	vld [tilespmem:s19+$0x0]  }
0x18f: {  	v5 =	vld [tilespmem:s19+$0xFFFFFFF0]  }
0x190: {  	v6 =	vld [tilespmem:s18+$0x7630];
	_ =	sdelay $0x1  }
0x191: {  	v7 =	vld [tilespmem:s18+$0x7650]  }
0x192: {  	v8 =	vld [tilespmem:s19+$0x10];
	v3 =	vadd.bf16 v3, v4  }
0x193: {  	v9 =	vld [tilespmem:s18+$0x7620]  }
0x194: {  	v4 =	vld [tilespmem:s19+$0xFFFFFFE0];
	v5 =	vadd.bf16 v6, v5;
	v3 =	vmul.bf16 v0, v3;
	_ =	sdelay $0x1  }
0x195: {  	v5 =	vmul.bf16 v0, v5;
	(erf) = vpow2.bf16 v3  }
0x196: {  	v6 =	vadd.bf16 v7, v8  }
0x197: {  	(erf) = vpow2.bf16 v5  }
0x198: {  	v3 =	vadd.bf16 v9, v4;
	v4 =	vmul.bf16 v0, v6;
	_ =	sdelay $0x1  }
0x199: {  	v3 =	vmul.bf16 v0, v3;
	(erf) = vpow2.bf16 v4;
	_ =	sdelay $0x1  }
0x19a: {  	(erf) = vpow2.bf16 v3;
	_ =	sdelay $0x2  }
0x19b: {  	v3 =	vpop (erf)  }
0x19c: {  	v3 =	vadd.bf16 v2, v3  }
0x19d: {  	v4 =	vpop (erf)  }
0x19e: {  	v4 =	vadd.bf16 v2, v4  }
0x19f: {  	(erf) = vrcp.bf16 v3  }
0x1a0: {  	v3 =	vpop (erf)  }
0x1a1: {  	(erf) = vrcp.bf16 v4;
	v5 =	vadd.bf16 v2, v3  }
0x1a2: {  	v4 =	vpop (erf)  }
0x1a3: {  	v4 =	vadd.bf16 v2, v4;
	(erf) = vrcp.bf16 v5;
	_ =	sdelay $0x1  }
0x1a4: {  	v5 =	vld [tilespmem:s18+$0x7680];
	(erf) = vrcp.bf16 v4  }
0x1a5: {  	v3 =	vld [tilespmem:s18+$0x7690]  }
0x1a6: {  	s20 =	simm.s32 $0x200;
	v4 =	vld [tilespmem:s18+$0x7670]  }
.LBB2_11:
0x1a7: {  	p0 =	sne.s32 s20, $0x4E00  }
0x1a8: {  	s19 =	sadd.s32 $0x40, s19;
	s21 =	smov.u32 s20;
	s20 =	sadd.s32 $0x200, s20;
	v6 =	vpop (erf)  }
0x1a9: {  	v5 =	vmul.bf16 v6, v5  }
0x1aa: {  	v6 =	vld [tilespmem:s18+$0x7660];
	v7 =	vpop (erf)  }
0x1ab: {  	v4 =	vmul.bf16 v7, v4;
	v8 =	vshll.u32 v5, $0x10;
	v5 =	vand.u32 $0xFFFF0000, v5  }
0x1ac: {  	[tilespmem:s18+$0x9E60] =	vst v8;
	v7 =	vpop (erf)  }
0x1ad: {  	v3 =	vmul.bf16 v7, v3;
	v7 =	vshll.u32 v4, $0x10;
	v4 =	vand.u32 $0xFFFF0000, v4;
	[tilespmem:s18+$0x9E70] =	vst v5  }
0x1ae: {  	[tilespmem:s18+$0x9E40] =	vst v7;
	v5 =	vpop (erf)  }
0x1af: {  	s21 =	sshra.s32 s21, $0x2;
	v5 =	vmul.bf16 v5, v6;
	[tilespmem:s18+$0x9E50] =	vst v4;
	v4 =	vshll.u32 v3, $0x10;
	v3 =	vand.u32 $0xFFFF0000, v3  }
0x1b0: {  	v6 =	vld [tilespmem:s21+$0x7620];
	[tilespmem:s18+$0x9E80] =	vst v4  }
0x1b1: {  	v4 =	vld [tilespmem:s21+$0x7650];
	v7 =	vshll.u32 v5, $0x10;
	v5 =	vand.u32 $0xFFFF0000, v5;
	[tilespmem:s18+$0x9E90] =	vst v3  }
0x1b2: {  	v8 =	vld [tilespmem:s21+$0x7640];
	[tilespmem:s18+$0x9E20] =	vst v7  }
0x1b3: {  	v3 =	vld [tilespmem:s21+$0x7690];
	[tilespmem:s18+$0x9E30] =	vst v5;
	s18 =	smov.u32 s21  }
0x1b4: {  	v5 =	vld [tilespmem:s19+$0x0]  }
0x1b5: {  	v7 =	vld [tilespmem:s19+$0xFFFFFFF0]  }
0x1b6: {  	v9 =	vld [tilespmem:s18+$0x7630];
	_ =	sdelay $0x1  }
0x1b7: {  	v10 =	vld [tilespmem:s19+$0x10]  }
0x1b8: {  	v5 =	vadd.bf16 v8, v5  }
0x1b9: {  	v8 =	vld [tilespmem:s19+$0xFFFFFFE0]  }
0x1ba: {  	v7 =	vadd.bf16 v9, v7;
	v5 =	vmul.bf16 v0, v5;
	_ =	sdelay $0x1  }
0x1bb: {  	v7 =	vmul.bf16 v0, v7;
	v4 =	vadd.bf16 v4, v10;
	(erf) = vpow2.bf16 v5;
	_ =	sdelay $0x1  }
0x1bc: {  	v5 =	vadd.bf16 v6, v8;
	v4 =	vmul.bf16 v0, v4;
	(erf) = vpow2.bf16 v7;
	_ =	sdelay $0x1  }
0x1bd: {  	v5 =	vmul.bf16 v0, v5;
	(erf) = vpow2.bf16 v4;
	_ =	sdelay $0x1  }
0x1be: {  	(erf) = vpow2.bf16 v5;
	_ =	sdelay $0x3  }
0x1bf: {  	v4 =	vpop (erf)  }
0x1c0: {  	v6 =	vadd.bf16 v2, v4  }
0x1c1: {  	v5 =	vpop (erf)  }
0x1c2: {  	v7 =	vadd.bf16 v2, v5;
	(erf) = vrcp.bf16 v6  }
0x1c3: {  	v4 =	vpop (erf)  }
0x1c4: {  	v4 =	vadd.bf16 v2, v4;
	(erf) = vrcp.bf16 v7  }
0x1c5: {  	v5 =	vpop (erf)  }
.Ltmp4:
0x1c6: {  	v6 =	vadd.bf16 v2, v5;
	(erf) = vrcp.bf16 v4;
	(pc) =	sbr.rel @p0 .LBB2_11-.Ltmp4, $3  }
0x1c7: {  	_ = 	snop  }
0x1c8: {  	v5 =	vld [tilespmem:s18+$0x7680];
	(erf) = vrcp.bf16 v6;
	_ =	sdelay $0x1  }
0x1c9: {  	v4 =	vld [tilespmem:s18+$0x7670]  }
0x1ca: {  	_ = 	snop  }
0x1cb: {  	v6 =	vpop (erf)  }
0x1cc: {  	v5 =	vmul.bf16 v6, v5  }
0x1cd: {  	v57 =	vld [tilespmem:s18+$0x7660];
	v7 =	vpop (erf)  }
0x1ce: {  	v4 =	vmul.bf16 v7, v4;
	v58 =	vshll.u32 v5, $0x10  }
0x1cf: {  	v5 =	vand.u32 $0xFFFF0000, v5;
	[tilespmem:s18+$0x9E60] =	vst v58;
	v59 =	vpop (erf)  }
0x1d0: {  	[tilespmem:s18+$0x9E70] =	vst v5;
	v3 =	vmul.bf16 v59, v3;
	v60 =	vshll.u32 v4, $0x10  }
0x1d1: {  	v4 =	vand.u32 $0xFFFF0000, v4;
	[tilespmem:s18+$0x9E40] =	vst v60;
	v61 =	vpop (erf)  }
0x1d2: {  	p0 =	sne.s32 s16, $0x7B;
	[tilespmem:s18+$0x9E50] =	vst v4;
	v5 =	vmul.bf16 v61, v57;
	v62 =	vshll.u32 v3, $0x10  }
.Ltmp5:
0x1d3: {  	v3 =	vand.u32 $0xFFFF0000, v3;
	[tilespmem:s18+$0x9E80] =	vst v62;
	(pc) =	sbr.rel @p0 .LBB2_8-.Ltmp5, $4  }
0x1d4: {  	[tilespmem:s18+$0x9E90] =	vst v3;
	v63 =	vshll.u32 v5, $0x10  }
0x1d5: {  	v3 =	vand.u32 $0xFFFF0000, v5;
	[tilespmem:s18+$0x9E20] =	vst v63  }
0x1d6: {  	[tilespmem:s18+$0x9E30] =	vst v3  }
0x1d7: {  	[spmem:s3] =	stream.indirect.scatter.add.f32 [tilespmem:s13], [sflag:$0x6], $0x80, s17, s31, $0xb8;
	[tilespmem:$0x1EAA0] =	vst v63  }
0x1d8: {  	[tilespmem:s7], [sflag:$0x2] =	stream.indirect.gather [hbm4b:s5+s31], $0x40, s15, s31, $0xb8;
	[tilespmem:$0x1EAA0] =	vst v63  }
0x1d9: {  	s16 =	simm.s32 $0x26E8  }
0x1da: {  	[tilespmem:s8], [sflag:$0x4] =	stream.indirect.gather [hbm4b:s2+s31], $0x80, s16, s31, $0xb8;
	[tilespmem:$0x1EAA0] =	vst v63  }
0x1db: {  	_ =	swait.ge [sflag:s9], $0xA00  }
0x1dc: {  	[sflag:s9] =	ssyncset.done $0x0  }
0x1dd: {  	[sflag:s9] =	ssyncadd.s32 $0xFFFFF600  }
0x1de: {  	_ =	swait.ge [sflag:s10], $0x1400  }
0x1df: {  	[sflag:s10] =	ssyncset.done $0x0  }
0x1e0: {  	[sflag:s10] =	ssyncadd.s32 $0xFFFFEC00  }
0x1e1: {  	_ =	swait.ge [sflag:s0], $0x1400  }
0x1e2: {  	[sflag:s0] =	ssyncset.done $0x0  }
0x1e3: {  	s16 =	simm.s32 $0x0;
	[sflag:s0] =	ssyncadd.s32 $0xFFFFEC00  }
0x1e4: {  	s17 =	simm.s32 $0x4E40;
	v3 =	vld [tilespmem:s16+$0x6240]  }
0x1e5: {  	v4 =	vld [tilespmem:s17+$0x0]  }
0x1e6: {  	v5 =	vld [tilespmem:s17+$0xFFFFFFF0]  }
0x1e7: {  	v6 =	vld [tilespmem:s16+$0x6230];
	_ =	sdelay $0x1  }
0x1e8: {  	v7 =	vld [tilespmem:s16+$0x6250]  }
0x1e9: {  	v8 =	vld [tilespmem:s17+$0x10];
	v3 =	vadd.bf16 v3, v4  }
0x1ea: {  	v9 =	vld [tilespmem:s16+$0x6220]  }
0x1eb: {  	v4 =	vld [tilespmem:s17+$0xFFFFFFE0];
	v5 =	vadd.bf16 v6, v5;
	v3 =	vmul.bf16 v0, v3;
	_ =	sdelay $0x1  }
0x1ec: {  	v5 =	vmul.bf16 v0, v5;
	(erf) = vpow2.bf16 v3  }
0x1ed: {  	v6 =	vadd.bf16 v7, v8  }
0x1ee: {  	(erf) = vpow2.bf16 v5  }
0x1ef: {  	v3 =	vadd.bf16 v9, v4;
	v4 =	vmul.bf16 v0, v6;
	_ =	sdelay $0x1  }
0x1f0: {  	v3 =	vmul.bf16 v0, v3;
	(erf) = vpow2.bf16 v4;
	_ =	sdelay $0x1  }
0x1f1: {  	(erf) = vpow2.bf16 v3;
	_ =	sdelay $0x2  }
0x1f2: {  	v3 =	vpop (erf)  }
0x1f3: {  	v3 =	vadd.bf16 v2, v3  }
0x1f4: {  	v4 =	vpop (erf)  }
0x1f5: {  	v4 =	vadd.bf16 v2, v4  }
0x1f6: {  	(erf) = vrcp.bf16 v3  }
0x1f7: {  	v3 =	vpop (erf)  }
0x1f8: {  	(erf) = vrcp.bf16 v4;
	v5 =	vadd.bf16 v2, v3  }
0x1f9: {  	v4 =	vpop (erf)  }
0x1fa: {  	v4 =	vadd.bf16 v2, v4;
	(erf) = vrcp.bf16 v5;
	_ =	sdelay $0x1  }
0x1fb: {  	v5 =	vld [tilespmem:s16+$0x6280];
	(erf) = vrcp.bf16 v4  }
0x1fc: {  	v3 =	vld [tilespmem:s16+$0x6290]  }
0x1fd: {  	s18 =	simm.s32 $0x200;
	v4 =	vld [tilespmem:s16+$0x6270]  }
.LBB2_14:
0x1fe: {  	p0 =	sne.s32 s18, $0x4E00  }
0x1ff: {  	s17 =	sadd.s32 $0x40, s17;
	s19 =	smov.u32 s18;
	s18 =	sadd.s32 $0x200, s18;
	v6 =	vpop (erf)  }
0x200: {  	v5 =	vmul.bf16 v6, v5  }
0x201: {  	v6 =	vld [tilespmem:s16+$0x6260];
	v7 =	vpop (erf)  }
0x202: {  	v4 =	vmul.bf16 v7, v4;
	v8 =	vshll.u32 v5, $0x10;
	v5 =	vand.u32 $0xFFFF0000, v5  }
0x203: {  	[tilespmem:s16+$0x8A60] =	vst v8;
	v7 =	vpop (erf)  }
0x204: {  	v3 =	vmul.bf16 v7, v3;
	v7 =	vshll.u32 v4, $0x10;
	v4 =	vand.u32 $0xFFFF0000, v4;
	[tilespmem:s16+$0x8A70] =	vst v5  }
0x205: {  	[tilespmem:s16+$0x8A40] =	vst v7;
	v5 =	vpop (erf)  }
0x206: {  	s19 =	sshra.s32 s19, $0x2;
	v5 =	vmul.bf16 v5, v6;
	[tilespmem:s16+$0x8A50] =	vst v4;
	v4 =	vshll.u32 v3, $0x10;
	v3 =	vand.u32 $0xFFFF0000, v3  }
0x207: {  	v6 =	vld [tilespmem:s19+$0x6220];
	[tilespmem:s16+$0x8A80] =	vst v4  }
0x208: {  	v4 =	vld [tilespmem:s19+$0x6250];
	v7 =	vshll.u32 v5, $0x10;
	v5 =	vand.u32 $0xFFFF0000, v5;
	[tilespmem:s16+$0x8A90] =	vst v3  }
0x209: {  	v8 =	vld [tilespmem:s19+$0x6240];
	[tilespmem:s16+$0x8A20] =	vst v7  }
0x20a: {  	v3 =	vld [tilespmem:s19+$0x6290];
	[tilespmem:s16+$0x8A30] =	vst v5;
	s16 =	smov.u32 s19  }
0x20b: {  	v5 =	vld [tilespmem:s17+$0x0]  }
0x20c: {  	v7 =	vld [tilespmem:s17+$0xFFFFFFF0]  }
0x20d: {  	v9 =	vld [tilespmem:s16+$0x6230];
	_ =	sdelay $0x1  }
0x20e: {  	v10 =	vld [tilespmem:s17+$0x10]  }
0x20f: {  	v5 =	vadd.bf16 v8, v5  }
0x210: {  	v8 =	vld [tilespmem:s17+$0xFFFFFFE0]  }
0x211: {  	v7 =	vadd.bf16 v9, v7;
	v5 =	vmul.bf16 v0, v5;
	_ =	sdelay $0x1  }
0x212: {  	v7 =	vmul.bf16 v0, v7;
	v4 =	vadd.bf16 v4, v10;
	(erf) = vpow2.bf16 v5;
	_ =	sdelay $0x1  }
0x213: {  	v5 =	vadd.bf16 v6, v8;
	v4 =	vmul.bf16 v0, v4;
	(erf) = vpow2.bf16 v7;
	_ =	sdelay $0x1  }
0x214: {  	v5 =	vmul.bf16 v0, v5;
	(erf) = vpow2.bf16 v4;
	_ =	sdelay $0x1  }
0x215: {  	(erf) = vpow2.bf16 v5;
	_ =	sdelay $0x3  }
0x216: {  	v4 =	vpop (erf)  }
0x217: {  	v6 =	vadd.bf16 v2, v4  }
0x218: {  	v5 =	vpop (erf)  }
0x219: {  	v7 =	vadd.bf16 v2, v5;
	(erf) = vrcp.bf16 v6  }
0x21a: {  	v4 =	vpop (erf)  }
0x21b: {  	v4 =	vadd.bf16 v2, v4;
	(erf) = vrcp.bf16 v7  }
0x21c: {  	v5 =	vpop (erf)  }
.Ltmp6:
0x21d: {  	v6 =	vadd.bf16 v2, v5;
	(erf) = vrcp.bf16 v4;
	(pc) =	sbr.rel @p0 .LBB2_14-.Ltmp6, $3  }
0x21e: {  	_ = 	snop  }
0x21f: {  	v5 =	vld [tilespmem:s16+$0x6280];
	(erf) = vrcp.bf16 v6;
	_ =	sdelay $0x1  }
0x220: {  	v4 =	vld [tilespmem:s16+$0x6270]  }
0x221: {  	_ = 	snop  }
0x222: {  	v6 =	vpop (erf)  }
0x223: {  	v5 =	vmul.bf16 v6, v5  }
0x224: {  	v7 =	vpop (erf)  }
0x225: {  	v4 =	vmul.bf16 v7, v4;
	v7 =	vshll.u32 v5, $0x10  }
0x226: {  	v6 =	vld [tilespmem:s16+$0x6260]  }
0x227: {  	v5 =	vand.u32 $0xFFFF0000, v5  }
0x228: {  	[tilespmem:s16+$0x8A60] =	vst v7;
	v7 =	vpop (erf)  }
0x229: {  	[tilespmem:s16+$0x8A70] =	vst v5;
	v3 =	vmul.bf16 v7, v3;
	v7 =	vshll.u32 v4, $0x10  }
0x22a: {  	v4 =	vand.u32 $0xFFFF0000, v4;
	v5 =	vpop (erf);
	[tilespmem:s16+$0x8A40] =	vst v7  }
0x22b: {  	v5 =	vmul.bf16 v5, v6;
	[tilespmem:s16+$0x8A50] =	vst v4;
	v4 =	vshll.u32 v3, $0x10  }
0x22c: {  	v3 =	vand.u32 $0xFFFF0000, v3;
	[tilespmem:s16+$0x8A80] =	vst v4  }
0x22d: {  	v4 =	vshll.u32 v5, $0x10;
	[tilespmem:s16+$0x8A90] =	vst v3  }
0x22e: {  	v3 =	vand.u32 $0xFFFF0000, v5;
	[tilespmem:s16+$0x8A20] =	vst v4  }
0x22f: {  	s22 =	simm.s32 $0x4DD0;
	[tilespmem:s16+$0x8A30] =	vst v3  }
0x230: {  	[spmem:s3] =	stream.indirect.scatter.add.f32 [tilespmem:s26], [sflag:$0x5], $0x80, s22, s31, $0xb8;
	[tilespmem:$0x1EAA0] =	vst v63  }
0x231: {  	_ =	swait.ge [sflag:s11], $0xA00  }
0x232: {  	[sflag:s11] =	ssyncset.done $0x0  }
0x233: {  	[sflag:s11] =	ssyncadd.s32 $0xFFFFF600  }
0x234: {  	_ =	swait.ge [sflag:s12], $0x1400  }
0x235: {  	[sflag:s12] =	ssyncset.done $0x0  }
0x236: {  	[sflag:s12] =	ssyncadd.s32 $0xFFFFEC00  }
0x237: {  	_ =	swait.ge [sflag:s14], $0x1400  }
0x238: {  	[sflag:s14] =	ssyncset.done $0x0  }
0x239: {  	s16 =	simm.s32 $0x0;
	[sflag:s14] =	ssyncadd.s32 $0xFFFFEC00  }
0x23a: {  	s17 =	simm.s32 $0x5840;
	v3 =	vld [tilespmem:s16+$0x7640]  }
0x23b: {  	v4 =	vld [tilespmem:s17+$0x0]  }
0x23c: {  	v5 =	vld [tilespmem:s17+$0xFFFFFFF0]  }
0x23d: {  	v6 =	vld [tilespmem:s16+$0x7630];
	_ =	sdelay $0x1  }
0x23e: {  	v7 =	vld [tilespmem:s16+$0x7650]  }
0x23f: {  	v8 =	vld [tilespmem:s17+$0x10];
	v3 =	vadd.bf16 v3, v4  }
0x240: {  	v9 =	vld [tilespmem:s16+$0x7620]  }
0x241: {  	v4 =	vld [tilespmem:s17+$0xFFFFFFE0];
	v5 =	vadd.bf16 v6, v5;
	v3 =	vmul.bf16 v0, v3;
	_ =	sdelay $0x1  }
0x242: {  	v5 =	vmul.bf16 v0, v5;
	(erf) = vpow2.bf16 v3  }
0x243: {  	v6 =	vadd.bf16 v7, v8  }
0x244: {  	(erf) = vpow2.bf16 v5  }
0x245: {  	v3 =	vadd.bf16 v9, v4;
	v4 =	vmul.bf16 v0, v6;
	_ =	sdelay $0x1  }
0x246: {  	v3 =	vmul.bf16 v0, v3;
	(erf) = vpow2.bf16 v4;
	_ =	sdelay $0x1  }
0x247: {  	(erf) = vpow2.bf16 v3;
	_ =	sdelay $0x2  }
0x248: {  	v3 =	vpop (erf)  }
0x249: {  	v3 =	vadd.bf16 v2, v3  }
0x24a: {  	v4 =	vpop (erf)  }
0x24b: {  	v4 =	vadd.bf16 v2, v4  }
0x24c: {  	(erf) = vrcp.bf16 v3  }
0x24d: {  	v3 =	vpop (erf)  }
0x24e: {  	(erf) = vrcp.bf16 v4;
	v5 =	vadd.bf16 v2, v3  }
0x24f: {  	v4 =	vpop (erf)  }
0x250: {  	v4 =	vadd.bf16 v2, v4;
	(erf) = vrcp.bf16 v5;
	_ =	sdelay $0x1  }
0x251: {  	v5 =	vld [tilespmem:s16+$0x7680];
	(erf) = vrcp.bf16 v4  }
0x252: {  	v3 =	vld [tilespmem:s16+$0x7690]  }
0x253: {  	s18 =	simm.s32 $0x200;
	s20 =	simm.s32 $0x2738;
	v4 =	vld [tilespmem:s16+$0x7670]  }
.LBB2_16:
0x254: {  	p0 =	sne.s32 s18, $0x4E00  }
0x255: {  	s17 =	sadd.s32 $0x40, s17;
	s19 =	smov.u32 s18;
	s18 =	sadd.s32 $0x200, s18;
	v6 =	vpop (erf)  }
0x256: {  	v5 =	vmul.bf16 v6, v5  }
0x257: {  	v6 =	vld [tilespmem:s16+$0x7660];
	v7 =	vpop (erf)  }
0x258: {  	v4 =	vmul.bf16 v7, v4;
	v8 =	vshll.u32 v5, $0x10;
	v5 =	vand.u32 $0xFFFF0000, v5  }
0x259: {  	[tilespmem:s16+$0x9E60] =	vst v8;
	v7 =	vpop (erf)  }
0x25a: {  	v3 =	vmul.bf16 v7, v3;
	v7 =	vshll.u32 v4, $0x10;
	v4 =	vand.u32 $0xFFFF0000, v4;
	[tilespmem:s16+$0x9E70] =	vst v5  }
0x25b: {  	[tilespmem:s16+$0x9E40] =	vst v7;
	v5 =	vpop (erf)  }
0x25c: {  	s19 =	sshra.s32 s19, $0x2;
	v5 =	vmul.bf16 v5, v6;
	[tilespmem:s16+$0x9E50] =	vst v4;
	v4 =	vshll.u32 v3, $0x10;
	v3 =	vand.u32 $0xFFFF0000, v3  }
0x25d: {  	v6 =	vld [tilespmem:s19+$0x7620];
	[tilespmem:s16+$0x9E80] =	vst v4  }
0x25e: {  	v4 =	vld [tilespmem:s19+$0x7650];
	v7 =	vshll.u32 v5, $0x10;
	v5 =	vand.u32 $0xFFFF0000, v5;
	[tilespmem:s16+$0x9E90] =	vst v3  }
0x25f: {  	v8 =	vld [tilespmem:s19+$0x7640];
	[tilespmem:s16+$0x9E20] =	vst v7  }
0x260: {  	v3 =	vld [tilespmem:s19+$0x7690];
	[tilespmem:s16+$0x9E30] =	vst v5;
	s16 =	smov.u32 s19  }
0x261: {  	v5 =	vld [tilespmem:s17+$0x0]  }
0x262: {  	v7 =	vld [tilespmem:s17+$0xFFFFFFF0]  }
0x263: {  	v9 =	vld [tilespmem:s16+$0x7630];
	_ =	sdelay $0x1  }
0x264: {  	v10 =	vld [tilespmem:s17+$0x10]  }
0x265: {  	v5 =	vadd.bf16 v8, v5  }
0x266: {  	v8 =	vld [tilespmem:s17+$0xFFFFFFE0]  }
0x267: {  	v7 =	vadd.bf16 v9, v7;
	v5 =	vmul.bf16 v0, v5;
	_ =	sdelay $0x1  }
0x268: {  	v7 =	vmul.bf16 v0, v7;
	v4 =	vadd.bf16 v4, v10;
	(erf) = vpow2.bf16 v5;
	_ =	sdelay $0x1  }
0x269: {  	v5 =	vadd.bf16 v6, v8;
	v4 =	vmul.bf16 v0, v4;
	(erf) = vpow2.bf16 v7;
	_ =	sdelay $0x1  }
0x26a: {  	v5 =	vmul.bf16 v0, v5;
	(erf) = vpow2.bf16 v4;
	_ =	sdelay $0x1  }
0x26b: {  	(erf) = vpow2.bf16 v5;
	_ =	sdelay $0x3  }
0x26c: {  	v4 =	vpop (erf)  }
0x26d: {  	v6 =	vadd.bf16 v2, v4  }
0x26e: {  	v5 =	vpop (erf)  }
0x26f: {  	v7 =	vadd.bf16 v2, v5;
	(erf) = vrcp.bf16 v6  }
0x270: {  	v4 =	vpop (erf)  }
0x271: {  	v4 =	vadd.bf16 v2, v4;
	(erf) = vrcp.bf16 v7  }
0x272: {  	v5 =	vpop (erf)  }
.Ltmp7:
0x273: {  	v6 =	vadd.bf16 v2, v5;
	(erf) = vrcp.bf16 v4;
	(pc) =	sbr.rel @p0 .LBB2_16-.Ltmp7, $3  }
0x274: {  	_ = 	snop  }
0x275: {  	v5 =	vld [tilespmem:s16+$0x7680];
	(erf) = vrcp.bf16 v6;
	_ =	sdelay $0x1  }
0x276: {  	v4 =	vld [tilespmem:s16+$0x7670]  }
0x277: {  	_ = 	snop  }
0x278: {  	v6 =	vpop (erf)  }
0x279: {  	v5 =	vmul.bf16 v6, v5  }
0x27a: {  	v57 =	vld [tilespmem:s16+$0x7660];
	v7 =	vpop (erf)  }
0x27b: {  	v4 =	vmul.bf16 v7, v4;
	v58 =	vshll.u32 v5, $0x10  }
0x27c: {  	v5 =	vand.u32 $0xFFFF0000, v5;
	[tilespmem:s16+$0x9E60] =	vst v58;
	v59 =	vpop (erf)  }
0x27d: {  	[tilespmem:s16+$0x9E70] =	vst v5;
	v3 =	vmul.bf16 v59, v3;
	v60 =	vshll.u32 v4, $0x10  }
0x27e: {  	v4 =	vand.u32 $0xFFFF0000, v4;
	[tilespmem:s16+$0x9E40] =	vst v60;
	v61 =	vpop (erf)  }
0x27f: {  	[tilespmem:s16+$0x9E50] =	vst v4;
	v5 =	vmul.bf16 v61, v57;
	v62 =	vshll.u32 v3, $0x10  }
0x280: {  	v3 =	vand.u32 $0xFFFF0000, v3;
	[tilespmem:s16+$0x9E80] =	vst v62  }
0x281: {  	[tilespmem:s16+$0x9E90] =	vst v3;
	v63 =	vshll.u32 v5, $0x10  }
0x282: {  	v3 =	vand.u32 $0xFFFF0000, v5;
	[tilespmem:s16+$0x9E20] =	vst v63  }
0x283: {  	[tilespmem:s16+$0x9E30] =	vst v3  }
0x284: {  	[spmem:s3] =	stream.indirect.scatter.add.f32 [tilespmem:s13], [sflag:$0x6], $0x80, s15, s31, $0xb8;
	[tilespmem:$0x1EAA0] =	vst v63  }
0x285: {  	_ =	swait.ge [sflag:s0], $0x1400  }
0x286: {  	[sflag:s0] =	ssyncset.done $0x0  }
0x287: {  	[sflag:s0] =	ssyncadd.s32 $0xFFFFEC00  }
0x288: {  	_ =	swait.ge [sflag:s14], $0x1400  }
0x289: {  	[sflag:s14] =	ssyncset.done $0x0  }
0x28a: {  	s21 =	stileid.u32;
	[sflag:s14] =	ssyncadd.s32 $0xFFFFEC00  }
0x28b: {  	s16 =	sshll.u32 s21, $0x6;
	[bflag:$0x0] =	sbarrier.arrive $0xFFFF  }
0x28c: {  	s16 =	sor.u32 $0x1C07, s16;
	s17 =	rddreg [dreg:$0x6]  }
0x28d: {  	[hbm:s17], [sflag:s16] =	dma.local [spmem:s25], $0x2710  }
0x28e: {  	_ =	swait.ge [sflag:s28], $0x2710  }
0x28f: {  	s4 =	sadd.s32 $0x1, s4;
	s22 =	rddreg [dreg:$0x7]  }
0x290: {  	p0 =	sne.s32 s4, s22  }
.Ltmp8:
0x291: {  	_ = 	snop;
	(pc) =	sbr.rel @p0 .LBB2_1-.Ltmp8, $3  }
0x292: {  	_ =	sdelay $0x1  }
0x293: {  	[sflag:s28] =	ssyncset.done $0x0  }
0x294: {  	[sflag:s28] =	ssyncadd.s32 $0xFFFFD8F0  }
0x295: {  	_ =	sfence.sel $0x180000  }
0x296: {  	[bflag:$0x0] =	sbarrier.arrive $0xFFFF  }
0x297: {  	_ =	strace $0x90000047  }
0x298: {  	s0 =	stileid.u32;
	[bflag:$0x2] =	sbarrier.arrive $0xFFFF  }
0x299: {  	p0 =	sne.s32 s0, $0x0;
	s0 =	rddreg [dreg:$0x3]  }
0x29a: {  	s0 =	sadd.s32 @!p0 $0x100000, s0  }
0x29b: {  	[sflag:s0] =	ssyncadd.tile.s32 @!p0 $0x1;
	_ =	shalt  }
.Lfunc_end2:
_tile_overlayer_lowered:
.L_overlay_start_2:
0x29c: {  	(tag) =	ssettag $0x2  }
0x29d: {  	s0 =	rddreg [dreg:$0x0];
	s2 =	stileid.u32  }
0x29e: {  	s1 =	rddreg [dreg:$0x1];
	p0 =	sne.s32 s2, $0x0  }
0x29f: {  	s3 =	rddreg [dreg:$0x2];
	[bflag:$0x3] =	sbarrier.arrive $0xFFFF;
	s2 =	simm.s32 @!p0 $0x1C07  }
0x2a0: {  	[timem:s3], [sflag:s2] =	dma.local @!p0 [hbm:s0], s1  }
0x2a1: {  	s0 =	simm.s32 @!p0 $0x7  }
0x2a2: {  	_ =	swait.ge @!p0 [sflag:s0], s1  }
0x2a3: {  	s1 =	ssub.s32 @!p0 $0x0, s1;
	[sflag:s0] =	ssyncset.done @!p0 $0x0  }
0x2a4: {  	[sflag:s0] =	ssyncadd.s32 @!p0 s1  }
0x2a5: {  	[bflag:$0x3] =	sbarrier.arrive $0xFFFF  }
0x2a6: {  	_ =	shalt  }

</sc_bundles>
